<compile_context>
chip_gen: v7x
topology: tpu7x:2x2x1
jax: 0.10.2.dev20260603
libtpu: 0.0.44.dev20260713+nightly
codegen_flags: <defaults>
</compile_context>

<pallas_src>
import jax
import jax.numpy as jnp
from jax import lax
from jax.experimental import pallas as pl
from jax.experimental.pallas import tpu as pltpu
from jax.experimental.pallas import tpu_sc as plsc

B, R, F = 1024, 200, 128
G, L = 4, 32
OUT = G * L
LANES = 16

NUM_CORES = 2
NUM_SUBCORES = 16
NW = NUM_CORES * NUM_SUBCORES

NCHUNK = 1
BC = B // NCHUNK
B_PER_W = BC // NW


def _make_body(b_base):
    def _sc_body(x_hbm, gi_hbm, gm_hbm, out_hbm,
                 in_v0, in_v1, out_v0, out_v1, idx_v, msk_v,
                 si0, si1, so0, so1):
        in_bufs = (in_v0, in_v1)
        out_bufs = (out_v0, out_v1)
        sin = (si0, si1)
        sout = (so0, so1)

        wid = lax.axis_index("s") * NUM_CORES + lax.axis_index("c")
        b0_w = wid * B_PER_W

        pltpu.sync_copy(gi_hbm, idx_v)
        pltpu.sync_copy(gm_hbm, msk_v)

        cols = []
        msks = []
        for j in range(OUT // LANES):
            g, h = j // 2, j % 2
            cj = idx_v[g, pl.ds(h * LANES, LANES)]
            cj = jnp.minimum(jnp.maximum(cj, 0), F - 1)
            cols.append(cj)
            msks.append(msk_v[g, pl.ds(h * LANES, LANES)])

        def in_dma(ci, bf):
            return pltpu.make_async_copy(
                x_hbm.at[b_base + b0_w + ci], in_bufs[bf], sin[bf])

        def out_dma(ci, bf):
            return pltpu.make_async_copy(
                out_bufs[bf], out_hbm.at[b0_w + ci], sout[bf])

        in_dma(0, 0).start()
        in_dma(1, 1).start()

        def outer(oi, carry):
            for bf in range(2):
                ci = 2 * oi + bf
                in_dma(ci, bf).wait()

                @pl.when(oi > 0)
                def _():
                    out_dma(ci - 2, bf).wait()

                @plsc.parallel_loop(0, R, step=1, unroll=4)
                def row_body(r):
                    base = jnp.full((LANES,), r, dtype=jnp.int32)
                    for j in range(OUT // LANES):
                        v = plsc.load_gather(in_bufs[bf], [base, cols[j]])
                        out_bufs[bf][r, pl.ds(j * LANES, LANES)] = v * msks[j]

                out_dma(ci, bf).start()

                @pl.when(ci + 2 < B_PER_W)
                def _():
                    in_dma(ci + 2, bf).start()
            return carry

        lax.fori_loop(0, B_PER_W // 2, outer, 0, unroll=False)
        out_dma(B_PER_W - 2, 0).wait()
        out_dma(B_PER_W - 1, 1).wait()

    return _sc_body


@jax.jit
def kernel(x_brd, g_idx, g_mask):
    mesh = plsc.VectorSubcoreMesh(
        core_axis_name="c", subcore_axis_name="s",
        num_cores=NUM_CORES, num_subcores=NUM_SUBCORES)
    scratch = [
        pltpu.VMEM((R, F), jnp.float32),
        pltpu.VMEM((R, F), jnp.float32),
        pltpu.VMEM((R, OUT), jnp.float32),
        pltpu.VMEM((R, OUT), jnp.float32),
        pltpu.VMEM((G, L), jnp.int32),
        pltpu.VMEM((G, L), jnp.float32),
        pltpu.SemaphoreType.DMA,
        pltpu.SemaphoreType.DMA,
        pltpu.SemaphoreType.DMA,
        pltpu.SemaphoreType.DMA,
    ]
    parts = []
    for k in range(NCHUNK):
        part = pl.kernel(
            _make_body(k * BC),
            out_type=jax.ShapeDtypeStruct((BC, R, OUT), jnp.float32),
            mesh=mesh,
            compiler_params=pltpu.CompilerParams(needs_layout_passes=False),
            scratch_types=scratch,
        )(x_brd, g_idx, g_mask)
        parts.append(part.reshape(BC, R, G, L))
    return jnp.concatenate(parts, axis=0)

# --- scband reference (transcript-rebuilt; emitter-appended) ---
"""Pipeline reference for scband-fixed-group-indexer-7164005450044 (READ-ONLY COPY).

The authoritative reference and input builder live on the scoring server;
editing this copy changes nothing except your own understanding.
"""

import jax, jax.numpy as jnp
import numpy as np


def setup_inputs(seed: int = 0) -> dict:
    key = jax.random.key(seed)
    x_brd = jax.random.normal(key, (1024, 200, 128), dtype=jnp.float32)
    # Buffers derived from init: 4 groups of 32 consecutive feature indices, no padding
    g_idx = jnp.arange(4 * 32, dtype=jnp.int32).reshape(4, 32)
    g_mask = jnp.ones((4, 32), dtype=jnp.float32)
    return {"x_brd": x_brd, "g_idx": g_idx, "g_mask": g_mask}


def reference(x_brd, g_idx, g_mask):
    # idx = g_idx.clamp_min(0)
    idx = jnp.maximum(g_idx, 0)
    # out = x_brd[:, :, idx]  -> [B, R, G, Lmax]
    out = jnp.take(x_brd, idx, axis=2)
    # mask out padded positions
    return out * g_mask[None, None, :, :]

if __name__ == "__main__":
    import jax
    _d = setup_inputs()
    print(jax.jit(kernel)(*tuple(_d.values())))

</pallas_src>

<mosaic_0001>
#map = affine_map<(d0, d1) -> (0, 0, 0)>
#map1 = affine_map<(d0, d1) -> (0, 0)>
module attributes {stable_mosaic.version = 14 : i64} {
  func.func @_sc_body(%arg0: i32, %arg1: i32, %arg2: memref<1024x200x128xf32, #tpu.memory_space<hbm>>, %arg3: memref<4x32xi32, #tpu.memory_space<hbm>>, %arg4: memref<4x32xf32, #tpu.memory_space<hbm>>, %arg5: memref<1024x200x128xf32, #tpu.memory_space<hbm>>, %arg6: memref<200x128xf32, #tpu.memory_space<vmem>>, %arg7: memref<200x128xf32, #tpu.memory_space<vmem>>, %arg8: memref<200x128xf32, #tpu.memory_space<vmem>>, %arg9: memref<200x128xf32, #tpu.memory_space<vmem>>, %arg10: memref<4x32xi32, #tpu.memory_space<vmem>>, %arg11: memref<4x32xf32, #tpu.memory_space<vmem>>, %arg12: memref<!tpu.dma_semaphore, #tpu.memory_space<semaphore_mem>>, %arg13: memref<!tpu.dma_semaphore, #tpu.memory_space<semaphore_mem>>, %arg14: memref<!tpu.dma_semaphore, #tpu.memory_space<semaphore_mem>>, %arg15: memref<!tpu.dma_semaphore, #tpu.memory_space<semaphore_mem>>) attributes {dimension_semantics = [#tpu.dimension_semantics<core_parallel>, #tpu.dimension_semantics<subcore_parallel>], iteration_bounds = array<i64: 2, 16>, scalar_prefetch = 0 : i64, scratch_operands = 10 : i64, tpu.core_type = #tpu.core_type<sc_vector_subcore>, window_params = [{transform_indices = #map}, {transform_indices = #map1}, {transform_indices = #map1}, {transform_indices = #map}]} {
    %mul3A = arith.constant 2 : i32
    %mul3A_0 = arith.muli %arg1, %mul3A : i32
    %add3A = arith.addi %mul3A_0, %arg0 : i32
    %mul3A_1 = arith.constant 32 : i32
    %mul3A_2 = arith.muli %add3A, %mul3A_1 : i32
    "tpu.region"() ({
      %run_scoped3A = tpu.sem_alloc : memref<!tpu.dma_semaphore, #tpu.memory_space<semaphore_mem>>
      tpu.enqueue_dma source(%arg3 : memref<4x32xi32, #tpu.memory_space<hbm>>) target(%arg10 : memref<4x32xi32, #tpu.memory_space<vmem>>) target_semaphore(%run_scoped3A : memref<!tpu.dma_semaphore, #tpu.memory_space<semaphore_mem>>)
      tpu.wait_dma2 semaphore(%run_scoped3A : memref<!tpu.dma_semaphore, #tpu.memory_space<semaphore_mem>>) src(%arg3 : memref<4x32xi32, #tpu.memory_space<hbm>>) dst(%arg10 : memref<4x32xi32, #tpu.memory_space<vmem>>)
      tpu.yield
    }) : () -> ()
    "tpu.region"() ({
      %run_scoped3A = tpu.sem_alloc : memref<!tpu.dma_semaphore, #tpu.memory_space<semaphore_mem>>
      tpu.enqueue_dma source(%arg4 : memref<4x32xf32, #tpu.memory_space<hbm>>) target(%arg11 : memref<4x32xf32, #tpu.memory_space<vmem>>) target_semaphore(%run_scoped3A : memref<!tpu.dma_semaphore, #tpu.memory_space<semaphore_mem>>)
      tpu.wait_dma2 semaphore(%run_scoped3A : memref<!tpu.dma_semaphore, #tpu.memory_space<semaphore_mem>>) src(%arg4 : memref<4x32xf32, #tpu.memory_space<hbm>>) dst(%arg11 : memref<4x32xf32, #tpu.memory_space<vmem>>)
      tpu.yield
    }) : () -> ()
    %get3A = arith.constant 0 : i32
    %get3A_3 = arith.index_cast %get3A : i32 to index
    %get3A_4 = arith.constant 0 : index
    %get3A_5 = tpu.vector_load %arg10[%get3A_3, %get3A_4] {strides = array<i32>} : memref<4x32xi32, #tpu.memory_space<vmem>>, vector<16xi32>,
    %max3A = arith.constant 0 : i32
    %max3A_6 = vector.broadcast %max3A : i32 to vector<16xi32>
    %max3A_7 = arith.maxsi %get3A_5, %max3A_6 : vector<16xi32>
    %min3A = arith.constant 127 : i32
    %min3A_8 = vector.broadcast %min3A : i32 to vector<16xi32>
    %min3A_9 = arith.minsi %max3A_7, %min3A_8 : vector<16xi32>
    %get3A_10 = arith.constant 0 : i32
    %get3A_11 = arith.index_cast %get3A_10 : i32 to index
    %get3A_12 = arith.constant 0 : index
    %get3A_13 = tpu.vector_load %arg11[%get3A_11, %get3A_12] {strides = array<i32>} : memref<4x32xf32, #tpu.memory_space<vmem>>, vector<16xf32>,
    %get3A_14 = arith.constant 0 : i32
    %get3A_15 = arith.index_cast %get3A_14 : i32 to index
    %get3A_16 = arith.constant 16 : index
    %get3A_17 = tpu.vector_load %arg10[%get3A_15, %get3A_16] {strides = array<i32>} : memref<4x32xi32, #tpu.memory_space<vmem>>, vector<16xi32>,
    %max3A_18 = arith.constant 0 : i32
    %max3A_19 = vector.broadcast %max3A_18 : i32 to vector<16xi32>
    %max3A_20 = arith.maxsi %get3A_17, %max3A_19 : vector<16xi32>
    %min3A_21 = arith.constant 127 : i32
    %min3A_22 = vector.broadcast %min3A_21 : i32 to vector<16xi32>
    %min3A_23 = arith.minsi %max3A_20, %min3A_22 : vector<16xi32>
    %get3A_24 = arith.constant 0 : i32
    %get3A_25 = arith.index_cast %get3A_24 : i32 to index
    %get3A_26 = arith.constant 16 : index
    %get3A_27 = tpu.vector_load %arg11[%get3A_25, %get3A_26] {strides = array<i32>} : memref<4x32xf32, #tpu.memory_space<vmem>>, vector<16xf32>,
    %get3A_28 = arith.constant 1 : i32
    %get3A_29 = arith.index_cast %get3A_28 : i32 to index
    %get3A_30 = arith.constant 0 : index
    %get3A_31 = tpu.vector_load %arg10[%get3A_29, %get3A_30] {strides = array<i32>} : memref<4x32xi32, #tpu.memory_space<vmem>>, vector<16xi32>,
    %max3A_32 = arith.constant 0 : i32
    %max3A_33 = vector.broadcast %max3A_32 : i32 to vector<16xi32>
    %max3A_34 = arith.maxsi %get3A_31, %max3A_33 : vector<16xi32>
    %min3A_35 = arith.constant 127 : i32
    %min3A_36 = vector.broadcast %min3A_35 : i32 to vector<16xi32>
    %min3A_37 = arith.minsi %max3A_34, %min3A_36 : vector<16xi32>
    %get3A_38 = arith.constant 1 : i32
    %get3A_39 = arith.index_cast %get3A_38 : i32 to index
    %get3A_40 = arith.constant 0 : index
    %get3A_41 = tpu.vector_load %arg11[%get3A_39, %get3A_40] {strides = array<i32>} : memref<4x32xf32, #tpu.memory_space<vmem>>, vector<16xf32>,
    %get3A_42 = arith.constant 1 : i32
    %get3A_43 = arith.index_cast %get3A_42 : i32 to index
    %get3A_44 = arith.constant 16 : index
    %get3A_45 = tpu.vector_load %arg10[%get3A_43, %get3A_44] {strides = array<i32>} : memref<4x32xi32, #tpu.memory_space<vmem>>, vector<16xi32>,
    %max3A_46 = arith.constant 0 : i32
    %max3A_47 = vector.broadcast %max3A_46 : i32 to vector<16xi32>
    %max3A_48 = arith.maxsi %get3A_45, %max3A_47 : vector<16xi32>
    %min3A_49 = arith.constant 127 : i32
    %min3A_50 = vector.broadcast %min3A_49 : i32 to vector<16xi32>
    %min3A_51 = arith.minsi %max3A_48, %min3A_50 : vector<16xi32>
    %get3A_52 = arith.constant 1 : i32
    %get3A_53 = arith.index_cast %get3A_52 : i32 to index
    %get3A_54 = arith.constant 16 : index
    %get3A_55 = tpu.vector_load %arg11[%get3A_53, %get3A_54] {strides = array<i32>} : memref<4x32xf32, #tpu.memory_space<vmem>>, vector<16xf32>,
    %get3A_56 = arith.constant 2 : i32
    %get3A_57 = arith.index_cast %get3A_56 : i32 to index
    %get3A_58 = arith.constant 0 : index
    %get3A_59 = tpu.vector_load %arg10[%get3A_57, %get3A_58] {strides = array<i32>} : memref<4x32xi32, #tpu.memory_space<vmem>>, vector<16xi32>,
    %max3A_60 = arith.constant 0 : i32
    %max3A_61 = vector.broadcast %max3A_60 : i32 to vector<16xi32>
    %max3A_62 = arith.maxsi %get3A_59, %max3A_61 : vector<16xi32>
    %min3A_63 = arith.constant 127 : i32
    %min3A_64 = vector.broadcast %min3A_63 : i32 to vector<16xi32>
    %min3A_65 = arith.minsi %max3A_62, %min3A_64 : vector<16xi32>
    %get3A_66 = arith.constant 2 : i32
    %get3A_67 = arith.index_cast %get3A_66 : i32 to index
    %get3A_68 = arith.constant 0 : index
    %get3A_69 = tpu.vector_load %arg11[%get3A_67, %get3A_68] {strides = array<i32>} : memref<4x32xf32, #tpu.memory_space<vmem>>, vector<16xf32>,
    %get3A_70 = arith.constant 2 : i32
    %get3A_71 = arith.index_cast %get3A_70 : i32 to index
    %get3A_72 = arith.constant 16 : index
    %get3A_73 = tpu.vector_load %arg10[%get3A_71, %get3A_72] {strides = array<i32>} : memref<4x32xi32, #tpu.memory_space<vmem>>, vector<16xi32>,
    %max3A_74 = arith.constant 0 : i32
    %max3A_75 = vector.broadcast %max3A_74 : i32 to vector<16xi32>
    %max3A_76 = arith.maxsi %get3A_73, %max3A_75 : vector<16xi32>
    %min3A_77 = arith.constant 127 : i32
    %min3A_78 = vector.broadcast %min3A_77 : i32 to vector<16xi32>
    %min3A_79 = arith.minsi %max3A_76, %min3A_78 : vector<16xi32>
    %get3A_80 = arith.constant 2 : i32
    %get3A_81 = arith.index_cast %get3A_80 : i32 to index
    %get3A_82 = arith.constant 16 : index
    %get3A_83 = tpu.vector_load %arg11[%get3A_81, %get3A_82] {strides = array<i32>} : memref<4x32xf32, #tpu.memory_space<vmem>>, vector<16xf32>,
    %get3A_84 = arith.constant 3 : i32
    %get3A_85 = arith.index_cast %get3A_84 : i32 to index
    %get3A_86 = arith.constant 0 : index
    %get3A_87 = tpu.vector_load %arg10[%get3A_85, %get3A_86] {strides = array<i32>} : memref<4x32xi32, #tpu.memory_space<vmem>>, vector<16xi32>,
    %max3A_88 = arith.constant 0 : i32
    %max3A_89 = vector.broadcast %max3A_88 : i32 to vector<16xi32>
    %max3A_90 = arith.maxsi %get3A_87, %max3A_89 : vector<16xi32>
    %min3A_91 = arith.constant 127 : i32
    %min3A_92 = vector.broadcast %min3A_91 : i32 to vector<16xi32>
    %min3A_93 = arith.minsi %max3A_90, %min3A_92 : vector<16xi32>
    %get3A_94 = arith.constant 3 : i32
    %get3A_95 = arith.index_cast %get3A_94 : i32 to index
    %get3A_96 = arith.constant 0 : index
    %get3A_97 = tpu.vector_load %arg11[%get3A_95, %get3A_96] {strides = array<i32>} : memref<4x32xf32, #tpu.memory_space<vmem>>, vector<16xf32>,
    %get3A_98 = arith.constant 3 : i32
    %get3A_99 = arith.index_cast %get3A_98 : i32 to index
    %get3A_100 = arith.constant 16 : index
    %get3A_101 = tpu.vector_load %arg10[%get3A_99, %get3A_100] {strides = array<i32>} : memref<4x32xi32, #tpu.memory_space<vmem>>, vector<16xi32>,
    %max3A_102 = arith.constant 0 : i32
    %max3A_103 = vector.broadcast %max3A_102 : i32 to vector<16xi32>
    %max3A_104 = arith.maxsi %get3A_101, %max3A_103 : vector<16xi32>
    %min3A_105 = arith.constant 127 : i32
    %min3A_106 = vector.broadcast %min3A_105 : i32 to vector<16xi32>
    %min3A_107 = arith.minsi %max3A_104, %min3A_106 : vector<16xi32>
    %get3A_108 = arith.constant 3 : i32
    %get3A_109 = arith.index_cast %get3A_108 : i32 to index
    %get3A_110 = arith.constant 16 : index
    %get3A_111 = tpu.vector_load %arg11[%get3A_109, %get3A_110] {strides = array<i32>} : memref<4x32xf32, #tpu.memory_space<vmem>>, vector<16xf32>,
    %add3A_112 = arith.constant 0 : i32
    %add3A_113 = arith.addi %add3A_112, %mul3A_2 : i32
    %add3A_114 = arith.constant 0 : i32
    %add3A_115 = arith.addi %add3A_113, %add3A_114 : i32
    %dma_start3A = arith.constant 0 : i32
    %dma_start3A_116 = arith.constant 0 : i32
    %dma_start3A_117 = tpu.memref_slice %arg2[%add3A_115, %dma_start3A, %dma_start3A_116] : memref<1024x200x128xf32, #tpu.memory_space<hbm>> -> memref<1x200x128xf32, #tpu.memory_space<hbm>>
    %dma_start3A_118 = tpu.memref_squeeze %dma_start3A_117 : memref<1x200x128xf32, #tpu.memory_space<hbm>> -> memref<200x128xf32, #tpu.memory_space<hbm>>
    %dma_start3A_119 = arith.constant 0 : i32
    %dma_start3A_120 = arith.constant 0 : i32
    %dma_start3A_121 = tpu.memref_slice %arg2[%add3A_115, %dma_start3A_119, %dma_start3A_120] : memref<1024x200x128xf32, #tpu.memory_space<hbm>> -> memref<1x200x128xf32, #tpu.memory_space<hbm>>
    %dma_start3A_122 = tpu.memref_squeeze %dma_start3A_121 : memref<1x200x128xf32, #tpu.memory_space<hbm>> -> memref<200x128xf32, #tpu.memory_space<hbm>>
    tpu.enqueue_dma source(%dma_start3A_122 : memref<200x128xf32, #tpu.memory_space<hbm>>) target(%arg6 : memref<200x128xf32, #tpu.memory_space<vmem>>) target_semaphore(%arg12 : memref<!tpu.dma_semaphore, #tpu.memory_space<semaphore_mem>>)
    %add3A_123 = arith.constant 0 : i32
    %add3A_124 = arith.addi %add3A_123, %mul3A_2 : i32
    %add3A_125 = arith.constant 1 : i32
    %add3A_126 = arith.addi %add3A_124, %add3A_125 : i32
    %dma_start3A_127 = arith.constant 0 : i32
    %dma_start3A_128 = arith.constant 0 : i32
    %dma_start3A_129 = tpu.memref_slice %arg2[%add3A_126, %dma_start3A_127, %dma_start3A_128] : memref<1024x200x128xf32, #tpu.memory_space<hbm>> -> memref<1x200x128xf32, #tpu.memory_space<hbm>>
    %dma_start3A_130 = tpu.memref_squeeze %dma_start3A_129 : memref<1x200x128xf32, #tpu.memory_space<hbm>> -> memref<200x128xf32, #tpu.memory_space<hbm>>
    %dma_start3A_131 = arith.constant 0 : i32
    %dma_start3A_132 = arith.constant 0 : i32
    %dma_start3A_133 = tpu.memref_slice %arg2[%add3A_126, %dma_start3A_131, %dma_start3A_132] : memref<1024x200x128xf32, #tpu.memory_space<hbm>> -> memref<1x200x128xf32, #tpu.memory_space<hbm>>
    %dma_start3A_134 = tpu.memref_squeeze %dma_start3A_133 : memref<1x200x128xf32, #tpu.memory_space<hbm>> -> memref<200x128xf32, #tpu.memory_space<hbm>>
    tpu.enqueue_dma source(%dma_start3A_134 : memref<200x128xf32, #tpu.memory_space<hbm>>) target(%arg7 : memref<200x128xf32, #tpu.memory_space<vmem>>) target_semaphore(%arg13 : memref<!tpu.dma_semaphore, #tpu.memory_space<semaphore_mem>>)
    %scan3A = arith.constant 0 : i32
    %scan3A_135 = arith.constant 0 : i32
    %scan3A_136 = arith.constant 16 : i32
    %scan3A_137 = arith.addi %scan3A_135, %scan3A_136 : i32
    %scan3A_138 = arith.constant 1 : i32
    scf.for %scan3A_159 = %scan3A_135 to %scan3A_137 step %scan3A_138  : i32 {
      %mul3A_160 = arith.constant 2 : i32
      %mul3A_161 = arith.muli %mul3A_160, %scan3A_159 : i32
      %add3A_162 = arith.constant 0 : i32
      %add3A_163 = arith.addi %mul3A_161, %add3A_162 : i32
      %add3A_164 = arith.constant 0 : i32
      %add3A_165 = arith.addi %add3A_164, %mul3A_2 : i32
      %add3A_166 = arith.addi %add3A_165, %add3A_163 : i32
      %dma_wait3A_167 = arith.constant 0 : i32
      %dma_wait3A_168 = arith.constant 0 : i32
      %dma_wait3A_169 = tpu.memref_slice %arg2[%add3A_166, %dma_wait3A_167, %dma_wait3A_168] : memref<1024x200x128xf32, #tpu.memory_space<hbm>> -> memref<1x200x128xf32, #tpu.memory_space<hbm>>
      %dma_wait3A_170 = tpu.memref_squeeze %dma_wait3A_169 : memref<1x200x128xf32, #tpu.memory_space<hbm>> -> memref<200x128xf32, #tpu.memory_space<hbm>>
      %dma_wait3A_171 = arith.constant 0 : i32
      %dma_wait3A_172 = arith.constant 0 : i32
      %dma_wait3A_173 = tpu.memref_slice %arg2[%add3A_166, %dma_wait3A_171, %dma_wait3A_172] : memref<1024x200x128xf32, #tpu.memory_space<hbm>> -> memref<1x200x128xf32, #tpu.memory_space<hbm>>
      %dma_wait3A_174 = tpu.memref_squeeze %dma_wait3A_173 : memref<1x200x128xf32, #tpu.memory_space<hbm>> -> memref<200x128xf32, #tpu.memory_space<hbm>>
      tpu.wait_dma2 semaphore(%arg12 : memref<!tpu.dma_semaphore, #tpu.memory_space<semaphore_mem>>) src(%dma_wait3A_174 : memref<200x128xf32, #tpu.memory_space<hbm>>) dst(%arg6 : memref<200x128xf32, #tpu.memory_space<vmem>>)
      %gt3A = arith.constant 0 : i32
      %gt3A_175 = arith.cmpi sgt, %scan3A_159, %gt3A : i32
      %convert_element_type3A = arith.extui %gt3A_175 : i1 to i32
      %cond3A = arith.constant 0 : i32
      %cond3A_176 = arith.cmpi ne, %convert_element_type3A, %cond3A : i32
      scf.if %cond3A_176 {
        %sub3A = arith.constant 2 : i32
        %sub3A_233 = arith.subi %add3A_163, %sub3A : i32
        %add3A_234 = arith.addi %mul3A_2, %sub3A_233 : i32
        %dma_wait3A_235 = arith.constant 0 : i32
        %dma_wait3A_236 = arith.constant 0 : i32
        %dma_wait3A_237 = tpu.memref_slice %arg5[%add3A_234, %dma_wait3A_235, %dma_wait3A_236] : memref<1024x200x128xf32, #tpu.memory_space<hbm>> -> memref<1x200x128xf32, #tpu.memory_space<hbm>>
        %dma_wait3A_238 = tpu.memref_squeeze %dma_wait3A_237 : memref<1x200x128xf32, #tpu.memory_space<hbm>> -> memref<200x128xf32, #tpu.memory_space<hbm>>
        %dma_wait3A_239 = arith.constant 0 : i32
        %dma_wait3A_240 = arith.constant 0 : i32
        %dma_wait3A_241 = tpu.memref_slice %arg5[%add3A_234, %dma_wait3A_239, %dma_wait3A_240] : memref<1024x200x128xf32, #tpu.memory_space<hbm>> -> memref<1x200x128xf32, #tpu.memory_space<hbm>>
        %dma_wait3A_242 = tpu.memref_squeeze %dma_wait3A_241 : memref<1x200x128xf32, #tpu.memory_space<hbm>> -> memref<200x128xf32, #tpu.memory_space<hbm>>
        tpu.wait_dma2 semaphore(%arg14 : memref<!tpu.dma_semaphore, #tpu.memory_space<semaphore_mem>>) src(%arg8 : memref<200x128xf32, #tpu.memory_space<vmem>>) dst(%dma_wait3A_242 : memref<200x128xf32, #tpu.memory_space<hbm>>)
      } else {
      }
      %parallel_loop3A = arith.constant 0 : i32
      %parallel_loop3A_177 = arith.constant 200 : i32
      %parallel_loop3A_178 = arith.constant 1 : i32
      scf.for %parallel_loop3A_233 = %parallel_loop3A to %parallel_loop3A_177 step %parallel_loop3A_178  : i32 {
        %parallel_loop3A_234 = vector.broadcast %parallel_loop3A_233 : i32 to vector<16xi32>
        %parallel_loop3A_235 = tpu.vector_load_idx %arg6[%parallel_loop3A_234, %min3A_9] : memref<200x128xf32, #tpu.memory_space<vmem>>[vector<16xi32>, vector<16xi32>], vector<16xf32>,
        %parallel_loop3A_236 = arith.mulf %parallel_loop3A_235, %get3A_13 : vector<16xf32>
        %parallel_loop3A_237 = arith.index_cast %parallel_loop3A_233 : i32 to index
        %parallel_loop3A_238 = arith.constant 0 : index
        %parallel_loop3A_239 = tpu.vector_load %arg8[%parallel_loop3A_237, %parallel_loop3A_238] {strides = array<i32>} : memref<200x128xf32, #tpu.memory_space<vmem>>, vector<16xf32>,
        tpu.vector_store %arg8[%parallel_loop3A_237, %parallel_loop3A_238], %parallel_loop3A_236 {strides = array<i32>} : memref<200x128xf32, #tpu.memory_space<vmem>>, vector<16xf32>,
        %parallel_loop3A_240 = tpu.vector_load_idx %arg6[%parallel_loop3A_234, %min3A_23] : memref<200x128xf32, #tpu.memory_space<vmem>>[vector<16xi32>, vector<16xi32>], vector<16xf32>,
        %parallel_loop3A_241 = arith.mulf %parallel_loop3A_240, %get3A_27 : vector<16xf32>
        %parallel_loop3A_242 = arith.index_cast %parallel_loop3A_233 : i32 to index
        %parallel_loop3A_243 = arith.constant 16 : index
        %parallel_loop3A_244 = tpu.vector_load %arg8[%parallel_loop3A_242, %parallel_loop3A_243] {strides = array<i32>} : memref<200x128xf32, #tpu.memory_space<vmem>>, vector<16xf32>,
        tpu.vector_store %arg8[%parallel_loop3A_242, %parallel_loop3A_243], %parallel_loop3A_241 {strides = array<i32>} : memref<200x128xf32, #tpu.memory_space<vmem>>, vector<16xf32>,
        %parallel_loop3A_245 = tpu.vector_load_idx %arg6[%parallel_loop3A_234, %min3A_37] : memref<200x128xf32, #tpu.memory_space<vmem>>[vector<16xi32>, vector<16xi32>], vector<16xf32>,
        %parallel_loop3A_246 = arith.mulf %parallel_loop3A_245, %get3A_41 : vector<16xf32>
        %parallel_loop3A_247 = arith.index_cast %parallel_loop3A_233 : i32 to index
        %parallel_loop3A_248 = arith.constant 32 : index
        %parallel_loop3A_249 = tpu.vector_load %arg8[%parallel_loop3A_247, %parallel_loop3A_248] {strides = array<i32>} : memref<200x128xf32, #tpu.memory_space<vmem>>, vector<16xf32>,
        tpu.vector_store %arg8[%parallel_loop3A_247, %parallel_loop3A_248], %parallel_loop3A_246 {strides = array<i32>} : memref<200x128xf32, #tpu.memory_space<vmem>>, vector<16xf32>,
        %parallel_loop3A_250 = tpu.vector_load_idx %arg6[%parallel_loop3A_234, %min3A_51] : memref<200x128xf32, #tpu.memory_space<vmem>>[vector<16xi32>, vector<16xi32>], vector<16xf32>,
        %parallel_loop3A_251 = arith.mulf %parallel_loop3A_250, %get3A_55 : vector<16xf32>
        %parallel_loop3A_252 = arith.index_cast %parallel_loop3A_233 : i32 to index
        %parallel_loop3A_253 = arith.constant 48 : index
        %parallel_loop3A_254 = tpu.vector_load %arg8[%parallel_loop3A_252, %parallel_loop3A_253] {strides = array<i32>} : memref<200x128xf32, #tpu.memory_space<vmem>>, vector<16xf32>,
        tpu.vector_store %arg8[%parallel_loop3A_252, %parallel_loop3A_253], %parallel_loop3A_251 {strides = array<i32>} : memref<200x128xf32, #tpu.memory_space<vmem>>, vector<16xf32>,
        %parallel_loop3A_255 = tpu.vector_load_idx %arg6[%parallel_loop3A_234, %min3A_65] : memref<200x128xf32, #tpu.memory_space<vmem>>[vector<16xi32>, vector<16xi32>], vector<16xf32>,
        %parallel_loop3A_256 = arith.mulf %parallel_loop3A_255, %get3A_69 : vector<16xf32>
        %parallel_loop3A_257 = arith.index_cast %parallel_loop3A_233 : i32 to index
        %parallel_loop3A_258 = arith.constant 64 : index
        %parallel_loop3A_259 = tpu.vector_load %arg8[%parallel_loop3A_257, %parallel_loop3A_258] {strides = array<i32>} : memref<200x128xf32, #tpu.memory_space<vmem>>, vector<16xf32>,
        tpu.vector_store %arg8[%parallel_loop3A_257, %parallel_loop3A_258], %parallel_loop3A_256 {strides = array<i32>} : memref<200x128xf32, #tpu.memory_space<vmem>>, vector<16xf32>,
        %parallel_loop3A_260 = tpu.vector_load_idx %arg6[%parallel_loop3A_234, %min3A_79] : memref<200x128xf32, #tpu.memory_space<vmem>>[vector<16xi32>, vector<16xi32>], vector<16xf32>,
        %parallel_loop3A_261 = arith.mulf %parallel_loop3A_260, %get3A_83 : vector<16xf32>
        %parallel_loop3A_262 = arith.index_cast %parallel_loop3A_233 : i32 to index
        %parallel_loop3A_263 = arith.constant 80 : index
        %parallel_loop3A_264 = tpu.vector_load %arg8[%parallel_loop3A_262, %parallel_loop3A_263] {strides = array<i32>} : memref<200x128xf32, #tpu.memory_space<vmem>>, vector<16xf32>,
        tpu.vector_store %arg8[%parallel_loop3A_262, %parallel_loop3A_263], %parallel_loop3A_261 {strides = array<i32>} : memref<200x128xf32, #tpu.memory_space<vmem>>, vector<16xf32>,
        %parallel_loop3A_265 = tpu.vector_load_idx %arg6[%parallel_loop3A_234, %min3A_93] : memref<200x128xf32, #tpu.memory_space<vmem>>[vector<16xi32>, vector<16xi32>], vector<16xf32>,
        %parallel_loop3A_266 = arith.mulf %parallel_loop3A_265, %get3A_97 : vector<16xf32>
        %parallel_loop3A_267 = arith.index_cast %parallel_loop3A_233 : i32 to index
        %parallel_loop3A_268 = arith.constant 96 : index
        %parallel_loop3A_269 = tpu.vector_load %arg8[%parallel_loop3A_267, %parallel_loop3A_268] {strides = array<i32>} : memref<200x128xf32, #tpu.memory_space<vmem>>, vector<16xf32>,
        tpu.vector_store %arg8[%parallel_loop3A_267, %parallel_loop3A_268], %parallel_loop3A_266 {strides = array<i32>} : memref<200x128xf32, #tpu.memory_space<vmem>>, vector<16xf32>,
        %parallel_loop3A_270 = tpu.vector_load_idx %arg6[%parallel_loop3A_234, %min3A_107] : memref<200x128xf32, #tpu.memory_space<vmem>>[vector<16xi32>, vector<16xi32>], vector<16xf32>,
        %parallel_loop3A_271 = arith.mulf %parallel_loop3A_270, %get3A_111 : vector<16xf32>
        %parallel_loop3A_272 = arith.index_cast %parallel_loop3A_233 : i32 to index
        %parallel_loop3A_273 = arith.constant 112 : index
        %parallel_loop3A_274 = tpu.vector_load %arg8[%parallel_loop3A_272, %parallel_loop3A_273] {strides = array<i32>} : memref<200x128xf32, #tpu.memory_space<vmem>>, vector<16xf32>,
        tpu.vector_store %arg8[%parallel_loop3A_272, %parallel_loop3A_273], %parallel_loop3A_271 {strides = array<i32>} : memref<200x128xf32, #tpu.memory_space<vmem>>, vector<16xf32>,
      } {sc.loop_unroll_factor = 4 : i64, sc.parallel_access}
      %add3A_179 = arith.addi %mul3A_2, %add3A_163 : i32
      %dma_start3A_180 = arith.constant 0 : i32
      %dma_start3A_181 = arith.constant 0 : i32
      %dma_start3A_182 = tpu.memref_slice %arg5[%add3A_179, %dma_start3A_180, %dma_start3A_181] : memref<1024x200x128xf32, #tpu.memory_space<hbm>> -> memref<1x200x128xf32, #tpu.memory_space<hbm>>
      %dma_start3A_183 = tpu.memref_squeeze %dma_start3A_182 : memref<1x200x128xf32, #tpu.memory_space<hbm>> -> memref<200x128xf32, #tpu.memory_space<hbm>>
      %dma_start3A_184 = arith.constant 0 : i32
      %dma_start3A_185 = arith.constant 0 : i32
      %dma_start3A_186 = tpu.memref_slice %arg5[%add3A_179, %dma_start3A_184, %dma_start3A_185] : memref<1024x200x128xf32, #tpu.memory_space<hbm>> -> memref<1x200x128xf32, #tpu.memory_space<hbm>>
      %dma_start3A_187 = tpu.memref_squeeze %dma_start3A_186 : memref<1x200x128xf32, #tpu.memory_space<hbm>> -> memref<200x128xf32, #tpu.memory_space<hbm>>
      tpu.enqueue_dma source(%arg8 : memref<200x128xf32, #tpu.memory_space<vmem>>) target(%dma_start3A_187 : memref<200x128xf32, #tpu.memory_space<hbm>>) target_semaphore(%arg14 : memref<!tpu.dma_semaphore, #tpu.memory_space<semaphore_mem>>)
      %add3A_188 = arith.constant 2 : i32
      %add3A_189 = arith.addi %add3A_163, %add3A_188 : i32
      %lt3A = arith.constant 32 : i32
      %lt3A_190 = arith.cmpi slt, %add3A_189, %lt3A : i32
      %convert_element_type3A_191 = arith.extui %lt3A_190 : i1 to i32
      %cond3A_192 = arith.constant 0 : i32
      %cond3A_193 = arith.cmpi ne, %convert_element_type3A_191, %cond3A_192 : i32
      scf.if %cond3A_193 {
        %add3A_233 = arith.constant 2 : i32
        %add3A_234 = arith.addi %add3A_163, %add3A_233 : i32
        %add3A_235 = arith.constant 0 : i32
        %add3A_236 = arith.addi %add3A_235, %mul3A_2 : i32
        %add3A_237 = arith.addi %add3A_236, %add3A_234 : i32
        %dma_start3A_238 = arith.constant 0 : i32
        %dma_start3A_239 = arith.constant 0 : i32
        %dma_start3A_240 = tpu.memref_slice %arg2[%add3A_237, %dma_start3A_238, %dma_start3A_239] : memref<1024x200x128xf32, #tpu.memory_space<hbm>> -> memref<1x200x128xf32, #tpu.memory_space<hbm>>
        %dma_start3A_241 = tpu.memref_squeeze %dma_start3A_240 : memref<1x200x128xf32, #tpu.memory_space<hbm>> -> memref<200x128xf32, #tpu.memory_space<hbm>>
        %dma_start3A_242 = arith.constant 0 : i32
        %dma_start3A_243 = arith.constant 0 : i32
        %dma_start3A_244 = tpu.memref_slice %arg2[%add3A_237, %dma_start3A_242, %dma_start3A_243] : memref<1024x200x128xf32, #tpu.memory_space<hbm>> -> memref<1x200x128xf32, #tpu.memory_space<hbm>>
        %dma_start3A_245 = tpu.memref_squeeze %dma_start3A_244 : memref<1x200x128xf32, #tpu.memory_space<hbm>> -> memref<200x128xf32, #tpu.memory_space<hbm>>
        tpu.enqueue_dma source(%dma_start3A_245 : memref<200x128xf32, #tpu.memory_space<hbm>>) target(%arg6 : memref<200x128xf32, #tpu.memory_space<vmem>>) target_semaphore(%arg12 : memref<!tpu.dma_semaphore, #tpu.memory_space<semaphore_mem>>)
      } else {
      }
      %mul3A_194 = arith.constant 2 : i32
      %mul3A_195 = arith.muli %mul3A_194, %scan3A_159 : i32
      %add3A_196 = arith.constant 1 : i32
      %add3A_197 = arith.addi %mul3A_195, %add3A_196 : i32
      %add3A_198 = arith.constant 0 : i32
      %add3A_199 = arith.addi %add3A_198, %mul3A_2 : i32
      %add3A_200 = arith.addi %add3A_199, %add3A_197 : i32
      %dma_wait3A_201 = arith.constant 0 : i32
      %dma_wait3A_202 = arith.constant 0 : i32
      %dma_wait3A_203 = tpu.memref_slice %arg2[%add3A_200, %dma_wait3A_201, %dma_wait3A_202] : memref<1024x200x128xf32, #tpu.memory_space<hbm>> -> memref<1x200x128xf32, #tpu.memory_space<hbm>>
      %dma_wait3A_204 = tpu.memref_squeeze %dma_wait3A_203 : memref<1x200x128xf32, #tpu.memory_space<hbm>> -> memref<200x128xf32, #tpu.memory_space<hbm>>
      %dma_wait3A_205 = arith.constant 0 : i32
      %dma_wait3A_206 = arith.constant 0 : i32
      %dma_wait3A_207 = tpu.memref_slice %arg2[%add3A_200, %dma_wait3A_205, %dma_wait3A_206] : memref<1024x200x128xf32, #tpu.memory_space<hbm>> -> memref<1x200x128xf32, #tpu.memory_space<hbm>>
      %dma_wait3A_208 = tpu.memref_squeeze %dma_wait3A_207 : memref<1x200x128xf32, #tpu.memory_space<hbm>> -> memref<200x128xf32, #tpu.memory_space<hbm>>
      tpu.wait_dma2 semaphore(%arg13 : memref<!tpu.dma_semaphore, #tpu.memory_space<semaphore_mem>>) src(%dma_wait3A_208 : memref<200x128xf32, #tpu.memory_space<hbm>>) dst(%arg7 : memref<200x128xf32, #tpu.memory_space<vmem>>)
      %gt3A_209 = arith.constant 0 : i32
      %gt3A_210 = arith.cmpi sgt, %scan3A_159, %gt3A_209 : i32
      %convert_element_type3A_211 = arith.extui %gt3A_210 : i1 to i32
      %cond3A_212 = arith.constant 0 : i32
      %cond3A_213 = arith.cmpi ne, %convert_element_type3A_211, %cond3A_212 : i32
      scf.if %cond3A_213 {
        %sub3A = arith.constant 2 : i32
        %sub3A_233 = arith.subi %add3A_197, %sub3A : i32
        %add3A_234 = arith.addi %mul3A_2, %sub3A_233 : i32
        %dma_wait3A_235 = arith.constant 0 : i32
        %dma_wait3A_236 = arith.constant 0 : i32
        %dma_wait3A_237 = tpu.memref_slice %arg5[%add3A_234, %dma_wait3A_235, %dma_wait3A_236] : memref<1024x200x128xf32, #tpu.memory_space<hbm>> -> memref<1x200x128xf32, #tpu.memory_space<hbm>>
        %dma_wait3A_238 = tpu.memref_squeeze %dma_wait3A_237 : memref<1x200x128xf32, #tpu.memory_space<hbm>> -> memref<200x128xf32, #tpu.memory_space<hbm>>
        %dma_wait3A_239 = arith.constant 0 : i32
        %dma_wait3A_240 = arith.constant 0 : i32
        %dma_wait3A_241 = tpu.memref_slice %arg5[%add3A_234, %dma_wait3A_239, %dma_wait3A_240] : memref<1024x200x128xf32, #tpu.memory_space<hbm>> -> memref<1x200x128xf32, #tpu.memory_space<hbm>>
        %dma_wait3A_242 = tpu.memref_squeeze %dma_wait3A_241 : memref<1x200x128xf32, #tpu.memory_space<hbm>> -> memref<200x128xf32, #tpu.memory_space<hbm>>
        tpu.wait_dma2 semaphore(%arg15 : memref<!tpu.dma_semaphore, #tpu.memory_space<semaphore_mem>>) src(%arg9 : memref<200x128xf32, #tpu.memory_space<vmem>>) dst(%dma_wait3A_242 : memref<200x128xf32, #tpu.memory_space<hbm>>)
      } else {
      }
      %parallel_loop3A_214 = arith.constant 0 : i32
      %parallel_loop3A_215 = arith.constant 200 : i32
      %parallel_loop3A_216 = arith.constant 1 : i32
      scf.for %parallel_loop3A_233 = %parallel_loop3A_214 to %parallel_loop3A_215 step %parallel_loop3A_216  : i32 {
        %parallel_loop3A_234 = vector.broadcast %parallel_loop3A_233 : i32 to vector<16xi32>
        %parallel_loop3A_235 = tpu.vector_load_idx %arg7[%parallel_loop3A_234, %min3A_9] : memref<200x128xf32, #tpu.memory_space<vmem>>[vector<16xi32>, vector<16xi32>], vector<16xf32>,
        %parallel_loop3A_236 = arith.mulf %parallel_loop3A_235, %get3A_13 : vector<16xf32>
        %parallel_loop3A_237 = arith.index_cast %parallel_loop3A_233 : i32 to index
        %parallel_loop3A_238 = arith.constant 0 : index
        %parallel_loop3A_239 = tpu.vector_load %arg9[%parallel_loop3A_237, %parallel_loop3A_238] {strides = array<i32>} : memref<200x128xf32, #tpu.memory_space<vmem>>, vector<16xf32>,
        tpu.vector_store %arg9[%parallel_loop3A_237, %parallel_loop3A_238], %parallel_loop3A_236 {strides = array<i32>} : memref<200x128xf32, #tpu.memory_space<vmem>>, vector<16xf32>,
        %parallel_loop3A_240 = tpu.vector_load_idx %arg7[%parallel_loop3A_234, %min3A_23] : memref<200x128xf32, #tpu.memory_space<vmem>>[vector<16xi32>, vector<16xi32>], vector<16xf32>,
        %parallel_loop3A_241 = arith.mulf %parallel_loop3A_240, %get3A_27 : vector<16xf32>
        %parallel_loop3A_242 = arith.index_cast %parallel_loop3A_233 : i32 to index
        %parallel_loop3A_243 = arith.constant 16 : index
        %parallel_loop3A_244 = tpu.vector_load %arg9[%parallel_loop3A_242, %parallel_loop3A_243] {strides = array<i32>} : memref<200x128xf32, #tpu.memory_space<vmem>>, vector<16xf32>,
        tpu.vector_store %arg9[%parallel_loop3A_242, %parallel_loop3A_243], %parallel_loop3A_241 {strides = array<i32>} : memref<200x128xf32, #tpu.memory_space<vmem>>, vector<16xf32>,
        %parallel_loop3A_245 = tpu.vector_load_idx %arg7[%parallel_loop3A_234, %min3A_37] : memref<200x128xf32, #tpu.memory_space<vmem>>[vector<16xi32>, vector<16xi32>], vector<16xf32>,
        %parallel_loop3A_246 = arith.mulf %parallel_loop3A_245, %get3A_41 : vector<16xf32>
        %parallel_loop3A_247 = arith.index_cast %parallel_loop3A_233 : i32 to index
        %parallel_loop3A_248 = arith.constant 32 : index
        %parallel_loop3A_249 = tpu.vector_load %arg9[%parallel_loop3A_247, %parallel_loop3A_248] {strides = array<i32>} : memref<200x128xf32, #tpu.memory_space<vmem>>, vector<16xf32>,
        tpu.vector_store %arg9[%parallel_loop3A_247, %parallel_loop3A_248], %parallel_loop3A_246 {strides = array<i32>} : memref<200x128xf32, #tpu.memory_space<vmem>>, vector<16xf32>,
        %parallel_loop3A_250 = tpu.vector_load_idx %arg7[%parallel_loop3A_234, %min3A_51] : memref<200x128xf32, #tpu.memory_space<vmem>>[vector<16xi32>, vector<16xi32>], vector<16xf32>,
        %parallel_loop3A_251 = arith.mulf %parallel_loop3A_250, %get3A_55 : vector<16xf32>
        %parallel_loop3A_252 = arith.index_cast %parallel_loop3A_233 : i32 to index
        %parallel_loop3A_253 = arith.constant 48 : index
        %parallel_loop3A_254 = tpu.vector_load %arg9[%parallel_loop3A_252, %parallel_loop3A_253] {strides = array<i32>} : memref<200x128xf32, #tpu.memory_space<vmem>>, vector<16xf32>,
        tpu.vector_store %arg9[%parallel_loop3A_252, %parallel_loop3A_253], %parallel_loop3A_251 {strides = array<i32>} : memref<200x128xf32, #tpu.memory_space<vmem>>, vector<16xf32>,
        %parallel_loop3A_255 = tpu.vector_load_idx %arg7[%parallel_loop3A_234, %min3A_65] : memref<200x128xf32, #tpu.memory_space<vmem>>[vector<16xi32>, vector<16xi32>], vector<16xf32>,
        %parallel_loop3A_256 = arith.mulf %parallel_loop3A_255, %get3A_69 : vector<16xf32>
        %parallel_loop3A_257 = arith.index_cast %parallel_loop3A_233 : i32 to index
        %parallel_loop3A_258 = arith.constant 64 : index
        %parallel_loop3A_259 = tpu.vector_load %arg9[%parallel_loop3A_257, %parallel_loop3A_258] {strides = array<i32>} : memref<200x128xf32, #tpu.memory_space<vmem>>, vector<16xf32>,
        tpu.vector_store %arg9[%parallel_loop3A_257, %parallel_loop3A_258], %parallel_loop3A_256 {strides = array<i32>} : memref<200x128xf32, #tpu.memory_space<vmem>>, vector<16xf32>,
        %parallel_loop3A_260 = tpu.vector_load_idx %arg7[%parallel_loop3A_234, %min3A_79] : memref<200x128xf32, #tpu.memory_space<vmem>>[vector<16xi32>, vector<16xi32>], vector<16xf32>,
        %parallel_loop3A_261 = arith.mulf %parallel_loop3A_260, %get3A_83 : vector<16xf32>
        %parallel_loop3A_262 = arith.index_cast %parallel_loop3A_233 : i32 to index
        %parallel_loop3A_263 = arith.constant 80 : index
        %parallel_loop3A_264 = tpu.vector_load %arg9[%parallel_loop3A_262, %parallel_loop3A_263] {strides = array<i32>} : memref<200x128xf32, #tpu.memory_space<vmem>>, vector<16xf32>,
        tpu.vector_store %arg9[%parallel_loop3A_262, %parallel_loop3A_263], %parallel_loop3A_261 {strides = array<i32>} : memref<200x128xf32, #tpu.memory_space<vmem>>, vector<16xf32>,
        %parallel_loop3A_265 = tpu.vector_load_idx %arg7[%parallel_loop3A_234, %min3A_93] : memref<200x128xf32, #tpu.memory_space<vmem>>[vector<16xi32>, vector<16xi32>], vector<16xf32>,
        %parallel_loop3A_266 = arith.mulf %parallel_loop3A_265, %get3A_97 : vector<16xf32>
        %parallel_loop3A_267 = arith.index_cast %parallel_loop3A_233 : i32 to index
        %parallel_loop3A_268 = arith.constant 96 : index
        %parallel_loop3A_269 = tpu.vector_load %arg9[%parallel_loop3A_267, %parallel_loop3A_268] {strides = array<i32>} : memref<200x128xf32, #tpu.memory_space<vmem>>, vector<16xf32>,
        tpu.vector_store %arg9[%parallel_loop3A_267, %parallel_loop3A_268], %parallel_loop3A_266 {strides = array<i32>} : memref<200x128xf32, #tpu.memory_space<vmem>>, vector<16xf32>,
        %parallel_loop3A_270 = tpu.vector_load_idx %arg7[%parallel_loop3A_234, %min3A_107] : memref<200x128xf32, #tpu.memory_space<vmem>>[vector<16xi32>, vector<16xi32>], vector<16xf32>,
        %parallel_loop3A_271 = arith.mulf %parallel_loop3A_270, %get3A_111 : vector<16xf32>
        %parallel_loop3A_272 = arith.index_cast %parallel_loop3A_233 : i32 to index
        %parallel_loop3A_273 = arith.constant 112 : index
        %parallel_loop3A_274 = tpu.vector_load %arg9[%parallel_loop3A_272, %parallel_loop3A_273] {strides = array<i32>} : memref<200x128xf32, #tpu.memory_space<vmem>>, vector<16xf32>,
        tpu.vector_store %arg9[%parallel_loop3A_272, %parallel_loop3A_273], %parallel_loop3A_271 {strides = array<i32>} : memref<200x128xf32, #tpu.memory_space<vmem>>, vector<16xf32>,
      } {sc.loop_unroll_factor = 4 : i64, sc.parallel_access}
      %add3A_217 = arith.addi %mul3A_2, %add3A_197 : i32
      %dma_start3A_218 = arith.constant 0 : i32
      %dma_start3A_219 = arith.constant 0 : i32
      %dma_start3A_220 = tpu.memref_slice %arg5[%add3A_217, %dma_start3A_218, %dma_start3A_219] : memref<1024x200x128xf32, #tpu.memory_space<hbm>> -> memref<1x200x128xf32, #tpu.memory_space<hbm>>
      %dma_start3A_221 = tpu.memref_squeeze %dma_start3A_220 : memref<1x200x128xf32, #tpu.memory_space<hbm>> -> memref<200x128xf32, #tpu.memory_space<hbm>>
      %dma_start3A_222 = arith.constant 0 : i32
      %dma_start3A_223 = arith.constant 0 : i32
      %dma_start3A_224 = tpu.memref_slice %arg5[%add3A_217, %dma_start3A_222, %dma_start3A_223] : memref<1024x200x128xf32, #tpu.memory_space<hbm>> -> memref<1x200x128xf32, #tpu.memory_space<hbm>>
      %dma_start3A_225 = tpu.memref_squeeze %dma_start3A_224 : memref<1x200x128xf32, #tpu.memory_space<hbm>> -> memref<200x128xf32, #tpu.memory_space<hbm>>
      tpu.enqueue_dma source(%arg9 : memref<200x128xf32, #tpu.memory_space<vmem>>) target(%dma_start3A_225 : memref<200x128xf32, #tpu.memory_space<hbm>>) target_semaphore(%arg15 : memref<!tpu.dma_semaphore, #tpu.memory_space<semaphore_mem>>)
      %add3A_226 = arith.constant 2 : i32
      %add3A_227 = arith.addi %add3A_197, %add3A_226 : i32
      %lt3A_228 = arith.constant 32 : i32
      %lt3A_229 = arith.cmpi slt, %add3A_227, %lt3A_228 : i32
      %convert_element_type3A_230 = arith.extui %lt3A_229 : i1 to i32
      %cond3A_231 = arith.constant 0 : i32
      %cond3A_232 = arith.cmpi ne, %convert_element_type3A_230, %cond3A_231 : i32
      scf.if %cond3A_232 {
        %add3A_233 = arith.constant 2 : i32
        %add3A_234 = arith.addi %add3A_197, %add3A_233 : i32
        %add3A_235 = arith.constant 0 : i32
        %add3A_236 = arith.addi %add3A_235, %mul3A_2 : i32
        %add3A_237 = arith.addi %add3A_236, %add3A_234 : i32
        %dma_start3A_238 = arith.constant 0 : i32
        %dma_start3A_239 = arith.constant 0 : i32
        %dma_start3A_240 = tpu.memref_slice %arg2[%add3A_237, %dma_start3A_238, %dma_start3A_239] : memref<1024x200x128xf32, #tpu.memory_space<hbm>> -> memref<1x200x128xf32, #tpu.memory_space<hbm>>
        %dma_start3A_241 = tpu.memref_squeeze %dma_start3A_240 : memref<1x200x128xf32, #tpu.memory_space<hbm>> -> memref<200x128xf32, #tpu.memory_space<hbm>>
        %dma_start3A_242 = arith.constant 0 : i32
        %dma_start3A_243 = arith.constant 0 : i32
        %dma_start3A_244 = tpu.memref_slice %arg2[%add3A_237, %dma_start3A_242, %dma_start3A_243] : memref<1024x200x128xf32, #tpu.memory_space<hbm>> -> memref<1x200x128xf32, #tpu.memory_space<hbm>>
        %dma_start3A_245 = tpu.memref_squeeze %dma_start3A_244 : memref<1x200x128xf32, #tpu.memory_space<hbm>> -> memref<200x128xf32, #tpu.memory_space<hbm>>
        tpu.enqueue_dma source(%dma_start3A_245 : memref<200x128xf32, #tpu.memory_space<hbm>>) target(%arg7 : memref<200x128xf32, #tpu.memory_space<vmem>>) target_semaphore(%arg13 : memref<!tpu.dma_semaphore, #tpu.memory_space<semaphore_mem>>)
      } else {
      }
    }
    %scan3A_139 = arith.constant 16 : i32
    %add3A_140 = arith.constant 30 : i32
    %add3A_141 = arith.addi %mul3A_2, %add3A_140 : i32
    %dma_wait3A = arith.constant 0 : i32
    %dma_wait3A_142 = arith.constant 0 : i32
    %dma_wait3A_143 = tpu.memref_slice %arg5[%add3A_141, %dma_wait3A, %dma_wait3A_142] : memref<1024x200x128xf32, #tpu.memory_space<hbm>> -> memref<1x200x128xf32, #tpu.memory_space<hbm>>
    %dma_wait3A_144 = tpu.memref_squeeze %dma_wait3A_143 : memref<1x200x128xf32, #tpu.memory_space<hbm>> -> memref<200x128xf32, #tpu.memory_space<hbm>>
    %dma_wait3A_145 = arith.constant 0 : i32
    %dma_wait3A_146 = arith.constant 0 : i32
    %dma_wait3A_147 = tpu.memref_slice %arg5[%add3A_141, %dma_wait3A_145, %dma_wait3A_146] : memref<1024x200x128xf32, #tpu.memory_space<hbm>> -> memref<1x200x128xf32, #tpu.memory_space<hbm>>
    %dma_wait3A_148 = tpu.memref_squeeze %dma_wait3A_147 : memref<1x200x128xf32, #tpu.memory_space<hbm>> -> memref<200x128xf32, #tpu.memory_space<hbm>>
    tpu.wait_dma2 semaphore(%arg14 : memref<!tpu.dma_semaphore, #tpu.memory_space<semaphore_mem>>) src(%arg8 : memref<200x128xf32, #tpu.memory_space<vmem>>) dst(%dma_wait3A_148 : memref<200x128xf32, #tpu.memory_space<hbm>>)
    %add3A_149 = arith.constant 31 : i32
    %add3A_150 = arith.addi %mul3A_2, %add3A_149 : i32
    %dma_wait3A_151 = arith.constant 0 : i32
    %dma_wait3A_152 = arith.constant 0 : i32
    %dma_wait3A_153 = tpu.memref_slice %arg5[%add3A_150, %dma_wait3A_151, %dma_wait3A_152] : memref<1024x200x128xf32, #tpu.memory_space<hbm>> -> memref<1x200x128xf32, #tpu.memory_space<hbm>>
    %dma_wait3A_154 = tpu.memref_squeeze %dma_wait3A_153 : memref<1x200x128xf32, #tpu.memory_space<hbm>> -> memref<200x128xf32, #tpu.memory_space<hbm>>
    %dma_wait3A_155 = arith.constant 0 : i32
    %dma_wait3A_156 = arith.constant 0 : i32
    %dma_wait3A_157 = tpu.memref_slice %arg5[%add3A_150, %dma_wait3A_155, %dma_wait3A_156] : memref<1024x200x128xf32, #tpu.memory_space<hbm>> -> memref<1x200x128xf32, #tpu.memory_space<hbm>>
    %dma_wait3A_158 = tpu.memref_squeeze %dma_wait3A_157 : memref<1x200x128xf32, #tpu.memory_space<hbm>> -> memref<200x128xf32, #tpu.memory_space<hbm>>
    tpu.wait_dma2 semaphore(%arg15 : memref<!tpu.dma_semaphore, #tpu.memory_space<semaphore_mem>>) src(%arg9 : memref<200x128xf32, #tpu.memory_space<vmem>>) dst(%dma_wait3A_158 : memref<200x128xf32, #tpu.memory_space<hbm>>)
    return
  }
}

</mosaic_0001>

<sc_bundles>
// kernel: kernel.3.cloned.1.call-start
scs
__scs_entry_jumppad:
0x0: {  	(pc) =	sbr.rel $0x88, $3  }
0x1: {  	(tag) =	ssettag $0x0;
	lr =	simm.s32 $0x1  }
0x2: {  	[smem:$0x3F9E] =	sst lr;
	_ =	strace $0xD0000000  }
0x3: {  	_ = 	snop  }
0x4: {  	_ = 	snop  }
0x5: {  	_ = 	snop  }
0x6: {  	_ = 	snop  }
0x7: {  	_ = 	snop  }
__scs_overlays_trampoline_lowered:
0x8: {  	[smem:$0x3FAD] =	sst s0  }
0x9: {  	[smem:$0x3FAE] =	sst s1  }
0xa: {  	[smem:$0x3FAF] =	sst s2  }
0xb: {  	[smem:$0x3FB0] =	sst s3  }
0xc: {  	[smem:$0x3FB1] =	sst s4  }
0xd: {  	[smem:$0x3FB2] =	sst s5  }
0xe: {  	[smem:$0x3FB3] =	sst s6  }
0xf: {  	[smem:$0x3FB4] =	sst s7  }
0x10: {  	[smem:$0x3FB5] =	sst s8  }
0x11: {  	[smem:$0x3FB6] =	sst s9;
	s0 =	simm.s32 @!p0 $0x0  }
0x12: {  	s1 =	sld [smem:$0x3F9C];
	s0 =	simm.s32 @p0 $0x1  }
0x13: {  	[smem:$0x3FB7] =	sst s0;
	s0 =	simm.s32 @!p1 $0x0  }
0x14: {  	s2 =	sld [smem:$0x3F9B];
	s0 =	simm.s32 @p1 $0x1  }
0x15: {  	[smem:$0x3FB8] =	sst s0;
	s0 =	simm.s32 @!p2 $0x0  }
0x16: {  	s3 =	sld [smem:$0x3FDB];
	s0 =	simm.s32 @p2 $0x1  }
0x17: {  	s4 =	simm.s32 $0x1BF5;
	[smem:$0x3FBA] =	sst s0  }
0x18: {  	s0 =	sld [smem:$0x3F9D];
	_ =	swait.ge [sflag:s4], $0x0  }
0x19: {  	s7 =	sld [smem:$0x3F9E]  }
0x1a: {  	s8 =	sadd.s32 $0xFFFFE003, lr  }
0x1b: {  	s9 =	sadd.s32 $0xFFFFFEF7, lr;
	s5 =	simm.s32 $0xFFFFFFFF;
	p2 =	slt.u32 s8, $0xFFFFF086  }
0x1c: {  	p1 =	slt.u32 s9, $0xF7A;
	s5 =	simm.s32 @!p2 $0x0  }
0x1d: {  	s5 =	simm.s32 @p1 $0x1;
	p0 =	seq.s32 s7, s2  }
0x1e: {  	s7 =	smul.u32 @!p0 $0xF7A, s2;
	p2 =	seq.s32 @!p0 s5, $0x0  }
0x1f: {  	s9 =	smul.u32 $0xF7A, s1;
	s8 =	simm.s32 @!p0 $0x1BF5;
	p2 =	por !p2, p0  }
0x20: {  	[sflag:s8] =	ssyncset.s32 @!p0 $0xFFFFF086;
	s6 =	sadd.s32 @!p0 s3, s7;
	s7 =	simm.s32 @!p0 $0x108  }
0x21: {  	s3 =	sadd.s32 s3, s9;
	s6 =	sadd.s32 @!p0 $0x88, s6;
	s7 =	simm.s32 @p2 $0x1082  }
0x22: {  	[simem:s7], [sflag:s8] =	dma.local @!p0 [hbm:s6], $0xF7A  }
0x23: {  	s9 =	sor.u32 $0xD0000000, s2;
	s6 =	simm.s32 $0x108;
	_ =	swait.ge @!p0 [sflag:s8], $0x0  }
0x24: {  	s3 =	sadd.s32 $0x88, s3;
	s6 =	simm.s32 @!p1 $0x1082;
	[sflag:s4] =	ssyncset.s32 $0xFFFFF086  }
0x25: {  	[simem:s6], [sflag:s4] =	dma.local [hbm:s3], $0xF7A  }
0x26: {  	[smem:$0x3F9E] =	sst s1;
	(tag) =	ssettag s2;
	_ =	strace s9  }
0x27: {  	s1 =	sld [smem:$0x3FAE]  }
0x28: {  	s2 =	sld [smem:$0x3FAF]  }
0x29: {  	s4 =	sld [smem:$0x3FB1]  }
0x2a: {  	p0 =	seq.s32 s5, $0x0;
	s5 =	sld [smem:$0x3FB2]  }
0x2b: {  	s6 =	sld [smem:$0x3FB3]  }
0x2c: {  	s7 =	sld [smem:$0x3FB4]  }
0x2d: {  	s3 =	simm.s32 $0x108;
	s8 =	sld [smem:$0x3FB5]  }
0x2e: {  	s3 =	simm.s32 @!p0 $0x1082;
	s9 =	sld [smem:$0x3FB6]  }
0x2f: {  	lr =	sadd.s32 s0, s3;
	s0 =	sld [smem:$0x3FAD]  }
0x30: {  	s3 =	sld [smem:$0x3FB0]  }
0x31: {  	[smem:$0x3FB9] =	sst s10  }
0x32: {  	s10 =	sld [smem:$0x3FB7];
	_ =	sdelay $0x3  }
0x33: {  	p0 =	seq.s32 s10, $0x1;
	s10 =	sld [smem:$0x3FB9];
	_ =	sdelay $0x3  }
0x34: {  	[smem:$0x3FB9] =	sst s10  }
0x35: {  	s10 =	sld [smem:$0x3FB8];
	_ =	sdelay $0x3  }
0x36: {  	p1 =	seq.s32 s10, $0x1;
	s10 =	sld [smem:$0x3FB9];
	_ =	sdelay $0x3  }
0x37: {  	[smem:$0x3FB9] =	sst s10  }
0x38: {  	s10 =	sld [smem:$0x3FBA]  }
0x39: {  	_ = 	snop;
	(pc) =	sbr.ind lr, $3  }
0x3a: {  	_ = 	snop  }
0x3b: {  	_ = 	snop  }
0x3c: {  	p2 =	seq.s32 s10, $0x1;
	s10 =	sld [smem:$0x3FB9]  }
0x3d: {  	_ =	shalt  }
0x3e: {  	_ =	shalt  }
0x3f: {  	_ =	shalt  }
0x40: {  	_ =	shalt  }
0x41: {  	_ =	shalt  }
0x42: {  	_ =	shalt  }
0x43: {  	_ =	shalt  }
0x44: {  	_ =	shalt  }
0x45: {  	_ =	shalt  }
0x46: {  	_ =	shalt  }
0x47: {  	_ =	shalt  }
0x48: {  	_ =	shalt  }
0x49: {  	_ =	shalt  }
0x4a: {  	_ =	shalt  }
0x4b: {  	_ =	shalt  }
0x4c: {  	_ =	shalt  }
0x4d: {  	_ =	shalt  }
0x4e: {  	_ =	shalt  }
0x4f: {  	_ =	shalt  }
0x50: {  	_ =	shalt  }
0x51: {  	_ =	shalt  }
0x52: {  	_ =	shalt  }
0x53: {  	_ =	shalt  }
0x54: {  	_ =	shalt  }
0x55: {  	_ =	shalt  }
0x56: {  	_ =	shalt  }
0x57: {  	_ =	shalt  }
0x58: {  	_ =	shalt  }
0x59: {  	_ =	shalt  }
0x5a: {  	_ =	shalt  }
0x5b: {  	_ =	shalt  }
0x5c: {  	_ =	shalt  }
0x5d: {  	_ =	shalt  }
0x5e: {  	_ =	shalt  }
0x5f: {  	_ =	shalt  }
0x60: {  	_ =	shalt  }
0x61: {  	_ =	shalt  }
0x62: {  	_ =	shalt  }
0x63: {  	_ =	shalt  }
0x64: {  	_ =	shalt  }
0x65: {  	_ =	shalt  }
0x66: {  	_ =	shalt  }
0x67: {  	_ =	shalt  }
0x68: {  	_ =	shalt  }
0x69: {  	_ =	shalt  }
0x6a: {  	_ =	shalt  }
0x6b: {  	_ =	shalt  }
0x6c: {  	_ =	shalt  }
0x6d: {  	_ =	shalt  }
0x6e: {  	_ =	shalt  }
0x6f: {  	_ =	shalt  }
0x70: {  	_ =	shalt  }
0x71: {  	_ =	shalt  }
0x72: {  	_ =	shalt  }
0x73: {  	_ =	shalt  }
0x74: {  	_ =	shalt  }
0x75: {  	_ =	shalt  }
0x76: {  	_ =	shalt  }
0x77: {  	_ =	shalt  }
0x78: {  	_ =	shalt  }
0x79: {  	_ =	shalt  }
0x7a: {  	_ =	shalt  }
0x7b: {  	_ =	shalt  }
0x7c: {  	_ =	shalt  }
0x7d: {  	_ =	shalt  }
0x7e: {  	_ =	shalt  }
0x7f: {  	_ =	shalt  }
0x80: {  	_ =	shalt  }
0x81: {  	_ =	shalt  }
0x82: {  	_ =	shalt  }
0x83: {  	_ =	shalt  }
0x84: {  	_ =	shalt  }
0x85: {  	_ =	shalt  }
0x86: {  	_ =	shalt  }
0x87: {  	_ =	shalt  }
.Lfunc_end0:
.L_simem_size_0:
called_computation_lowered:
.L_overlay_start_0:
0x88: {  	s2 =	sld [smem:$0x3FD9]  }
0x89: {  	s3 =	sld [smem:$0x3FFE];
	_ =	sdelay $0x1  }
0x8a: {  	s1 =	srdreg.scid  }
0x8b: {  	s0 =	sand.u32 $0x1, s1  }
0x8c: {  	s17 =	sshll.u32 s0, $0xA;
	s2 =	sadd.s32 s3, s2  }
0x8d: {  	s2 =	sadd.s32 s2, s17  }
0x8e: {  	[smem:$0x3FC5] =	sst s2  }
0x8f: {  	_ = 	snop  }
0x90: {  	s2 =	sld [smem:$0x3FC9]  }
0x91: {  	s18 =	sld [smem:$0x3FC8]  }
0x92: {  	s4 =	sld [smem:$0x3FC7];
	(tm) =	ssettm $0x1  }
0x93: {  	s5 =	sld [smem:$0x3FFB];
	_ =	sdelay $0x3  }
0x94: {  	_ =	strace s5  }
0x95: {  	s5 =	sld [smem:$0x3FFC];
	_ =	sdelay $0x3  }
0x96: {  	_ =	strace s5  }
0x97: {  	s5 =	sld [smem:$0x3FFD];
	_ =	sdelay $0x3  }
0x98: {  	_ =	strace s5  }
0x99: {  	_ =	strace $0x8FFFFFFF  }
0x9a: {  	s19 =	sld [smem:$0x3FDB];
	_ =	sdelay $0x1  }
0x9b: {  	s6 =	simm.s32 $_scs_section_size  }
0x9c: {  	s7 =	simm.s32 $_size__tile_overlayer_lowered;
	s8 =	simm.s32 $_tile_overlayer_lowered  }
0x9d: {  	s22 =	simm.s32 $0x1BFF;
	s21 =	sshll.u32 s8, $0x1;
	s5 =	sadd.s32 s6, s19  }
0x9e: {  	s9 =	simm.s32 $0x0;
	s20 =	sshll.u32 s7, $0x1;
	s7 =	sadd.s32 s21, s5  }
0x9f: {  	[timem:s9], [sflag:s22] =	dma.local [hbm:s7], s20  }
0xa0: {  	_ =	swait.ge [sflag:s22], s20  }
0xa1: {  	s6 =	ssub.s32 $0x0, s20;
	[sflag:s22] =	ssyncset.done $0x0  }
0xa2: {  	[sflag:s22] =	ssyncadd.s32 s6;
	_ =	sdelay $0x1  }
0xa3: {  	s23 =	simm.s32 $0x1B8B  }
0xa4: {  	_ =	swait.ge [sflag:s23], $0x1  }
0xa5: {  	[sflag:s23] =	ssyncset.done $0x0  }
0xa6: {  	s25 =	simm.s32 $0x1B8E;
	s24 =	sld [smem:$0x3FFE];
	[sflag:s23] =	ssyncadd.s32 $0xFFFFFFFF  }
0xa7: {  	s26 =	simm.s32 $execute0_lowered;
	[smem:$0x3FD2] =	sst s25  }
0xa8: {  	s7 =	sshll.u32 s26, $0x1;
	_ =	strace $0x80000046;
	[dreg:$0x1] =	wrdreg $0xFFFFFFFF  }
0xa9: {  	s28 =	simm.s32 $_size_execute0_lowered;
	s5 =	sadd.s32 s5, s7;
	[dreg:$0x0] =	wrdreg $0x0  }
0xaa: {  	s7 =	sshll.u32 s28, $0x1;
	[dreg:$0x2] =	wrdreg s5  }
0xab: {  	[dreg:$0x3] =	wrdreg s7  }
0xac: {  	[dreg:$0x4] =	wrdreg $0xC0  }
0xad: {  	_ =	task [dreg:s9], $0x5FFFF  }
0xae: {  	[dreg:$0x1] =	wrdreg $0xFFFFFFFF  }
0xaf: {  	[dreg:$0x0] =	wrdreg $0x60  }
0xb0: {  	[dreg:$0x2] =	wrdreg s2  }
0xb1: {  	[dreg:$0x3] =	wrdreg s18  }
0xb2: {  	[dreg:$0x4] =	wrdreg s4  }
0xb3: {  	[dreg:$0x5] =	wrdreg s24  }
0xb4: {  	[dreg:$0x6] =	wrdreg $0x9  }
0xb5: {  	_ =	task.clear_ibuf [dreg:s9], $0x7FFFF;
	_ =	strace $0x90000046  }
0xb6: {  	s29 =	simm.s32 $0x9;
	_ =	strace $0x80000048  }
0xb7: {  	_ =	swait.ge [sflag:s29], $0x1  }
0xb8: {  	[sflag:s29] =	ssyncadd.s32 $0xFFFFFFFF  }
0xb9: {  	_ =	strace $0x90000048  }
0xba: {  	_ =	sfence  }
0xbb: {  	s30 =	sld [smem:$0x0];
	_ =	sdelay $0x2  }
0xbc: {  	s31 =	sshll.u32 s1, $0xD;
	s1 =	sshrl.u32 s1, $0x2  }
0xbd: {  	s3 =	sand.u32 $0x4000, s31;
	s1 =	sadd.s32 s1, s30  }
0xbe: {  	s0 =	sor.u32 s3, s0;
	s1 =	sshll.u32 s1, $0x11  }
0xbf: {  	s0 =	sor.u32 s1, s0  }
0xc0: {  	s0 =	sadd.s32 $0x8F2B, s0  }
0xc1: {  	[sflag:s0] =	ssyncadd.remote.s32 $0x1  }
0xc2: {  	_ =	sfence.sel $0xFFFF  }
0xc3: {  	[dreg:$0x0] =	wrdreg $0xFFFFFFFF;
	(pc) =	sbr.abs _section_cstart, $3  }
0xc4: {  	[dreg:$0x1] =	wrdreg $0xFFFFFFFF  }
0xc5: {  	_ =	task.clear_ibuf [dreg:s9], $0x2FFFF;
	_ =	strace $0x9FFFFFFF  }
0xc6: {  	(tm) =	ssettm $0x7FFFFFFF  }
0xc7: {  	_ =	shalt  }
tec
execute0_lowered:
.L_overlay_start_1:
0x0: {  	(tag) =	ssettag $0x1  }
0x1: {  	s1 =	rddreg [dreg:$0x0];
	s0 =	srdreg.scid  }
0x2: {  	s3 =	stileid.u32;
	s2 =	rddreg [dreg:$0x3];
	s0 =	sand.u32 $0x1, s0  }
0x3: {  	s5 =	simm.s32 $0x0;
	s3 =	sshll.u32 s3, $0x6;
	s4 =	sshll.u32 s0, $0x5  }
0x4: {  	s16 =	simm.s32 $0x6400;
	s0 =	ssub.s32 $0x2, s0;
	s6 =	sor.u32 s4, s3  }
0x5: {  	s17 =	simm.s32 $0x1;
	s30 =	sshrl.u32 s0, $0x1;
	s3 =	smul.u32 $0xC80, s6  }
.Ltmp0:
0x6: {  	s19 =	simm.s32 $0x2;
	s0 =	ssub.s32 s0, s30;
	(pc) =	sbr.rel .LBB2_1-.Ltmp0, $4  }
0x7: {  	[smem:$0x7FF] =	sst s5;
	s7 =	sadd.s32 $0x400, s2;
	s0 =	smax.u32 s0, $0x1  }
0x8: {  	_ =	strace $0x80000047;
	s31 =	sadd.s32 s1, s3;
	[dreg:$0x7] =	wrdreg s0  }
0x9: {  	s10 =	sor.u32 $0x2, s6;
	[dreg:$0x5] =	wrdreg s31;
	s2 =	sadd.s32 $0xC80, s31  }
0xa: {  	s11 =	sor.u32 $0x3, s6;
	s3 =	simm.s32 $0x0;
	[dreg:$0x6] =	wrdreg s2  }
.LBB2_8:
0xb: {  	s0 =	simm.s32 $0x3  }
0xc: {  	_ =	swait.ge [sflag:s0], $0x6400  }
0xd: {  	[sflag:s0] =	ssyncset.done $0x0  }
0xe: {  	s2 =	simm.s32 $0x4;
	[sflag:s0] =	ssyncadd.s32 $0xFFFF9C00  }
0xf: {  	_ =	swait.ge [sflag:s2], $0x6400  }
0x10: {  	s3 =	rddreg [dreg:$0x8]  }
0x11: {  	s31 =	rddreg [dreg:$0x7];
	s3 =	sadd.s32 $0x1, s3  }
0x12: {  	p0 =	sne.s32 s3, s31  }
.Ltmp1:
0x13: {  	_ = 	snop;
	(pc) =	sbr.rel @!p0 .LBB2_9-.Ltmp1, $3  }
0x14: {  	_ =	sdelay $0x1  }
0x15: {  	[sflag:s2] =	ssyncset.done $0x0  }
0x16: {  	[sflag:s2] =	ssyncadd.s32 $0xFFFF9C00  }
.LBB2_1:
0x17: {  	[dreg:$0x8] =	wrdreg s3  }
0x18: {  	s0 =	rddreg [dreg:$0x1];
	s2 =	simm.s32 $0x19000;
	s26 =	simm.s32 $0x5  }
0x19: {  	[tilespmem:s2], [sflag:$0x5] =	stream.linear.gather [hbm4b:s0+s5], $0x200, $0x38;
	[tilespmem:$0x19400] =	vst v63  }
0x1a: {  	_ =	swait.ge [sflag:s26], $0x200  }
0x1b: {  	[sflag:s26] =	ssyncset.done $0x0  }
0x1c: {  	[sflag:s26] =	ssyncadd.s32 $0xFFFFFE00  }
0x1d: {  	s29 =	simm.s32 $0x19200;
	s28 =	rddreg [dreg:$0x2]  }
0x1e: {  	[tilespmem:s29], [sflag:$0x5] =	stream.linear.gather [hbm4b:s28+s5], $0x200, $0x38;
	[tilespmem:$0x19400] =	vst v63  }
0x1f: {  	_ =	swait.ge [sflag:s26], $0x200  }
0x20: {  	[sflag:s26] =	ssyncset.done $0x0  }
0x21: {  	[sflag:s26] =	ssyncadd.s32 $0xFFFFFE00  }
0x22: {  	v5 =	vld [tilespmem:$0x19000]  }
0x23: {  	v6 =	vld [tilespmem:$0x19010]  }
0x24: {  	v7 =	vld [tilespmem:$0x19080]  }
0x25: {  	v8 =	vld [tilespmem:$0x19090]  }
0x26: {  	v9 =	vld [tilespmem:$0x19100]  }
0x27: {  	v10 =	vld [tilespmem:$0x19110]  }
0x28: {  	v11 =	vld [tilespmem:$0x19180]  }
0x29: {  	v12 =	vld [tilespmem:$0x19190]  }
0x2a: {  	v0 =	vld [tilespmem:$0x19200]  }
0x2b: {  	v1 =	vld [tilespmem:$0x19210]  }
0x2c: {  	v2 =	vld [tilespmem:$0x19280];
	vm0 =	vgt.s32 v5, $0x0;
	vm10 =	vgt.s32 v6, $0x0;
	vm11 =	vgt.s32 v7, $0x0  }
0x2d: {  	v3 =	vld [tilespmem:$0x19290];
	vm1 =	vgt.s32 v8, $0x0;
	vm12 =	vgt.s32 v9, $0x0;
	vm13 =	vgt.s32 v10, $0x0  }
0x2e: {  	v4 =	vld [tilespmem:$0x19300];
	vm14 =	vgt.s32 v11, $0x0;
	vm15 =	vgt.s32 v12, $0x0;
	v13 =	vnsel vm0, $0x0, v5  }
0x2f: {  	v14 =	vnsel vm10, $0x0, v6;
	v15 =	vnsel vm11, $0x0, v7;
	v16 =	vnsel vm1, $0x0, v8;
	v7 =	vld [tilespmem:$0x19390]  }
0x30: {  	s30 =	rddreg [dreg:$0x5];
	v5 =	vld [tilespmem:$0x19310];
	v17 =	vnsel vm12, $0x0, v9;
	v18 =	vnsel vm13, $0x0, v10;
	v19 =	vnsel vm14, $0x0, v11  }
0x31: {  	v6 =	vld [tilespmem:$0x19380];
	[tilespmem:s5], [sflag:$0x1] =	stream.linear.gather [hbm4b:s30+s5], $0x6400, $0x38;
	v20 =	vnsel vm15, $0x0, v12;
	v8 =	vmin.u32 v13, $0x7F;
	v9 =	vmin.u32 v14, $0x7F  }
0x32: {  	s24 =	simm.s32 $0x0;
	s31 =	rddreg [dreg:$0x6];
	v10 =	vmin.u32 v15, $0x7F;
	v11 =	vmin.u32 v16, $0x7F;
	v12 =	vmin.u32 v17, $0x7F  }
0x33: {  	v13 =	vmin.u32 v18, $0x7F;
	v14 =	vmin.u32 v19, $0x7F;
	v15 =	vmin.u32 v20, $0x7F;
	[tilespmem:s16], [sflag:$0x2] =	stream.linear.gather [hbm4b:s31+s5], $0x6400, $0x38;
	[tilespmem:$0x19400] =	vst v63  }
.LBB2_2:
0x34: {  	_ =	swait.ge [sflag:s17], $0x6400;
	s12 =	simm.s32 $0x100  }
0x35: {  	p0 =	seq.s32 s24, $0x0;
	s8 =	simm.s32 $0x80;
	[sflag:s17] =	ssyncset.done $0x0;
	v16 =	vor.u32 s12, v8  }
0x36: {  	s0 =	simm.s32 @!p0 $0x3;
	v17 =	vor.u32 s8, v8;
	[sflag:s17] =	ssyncadd.s32 $0xFFFF9C00  }
0x37: {  	_ =	swait.ge @!p0 [sflag:s0], $0x6400  }
0x38: {  	[sflag:s0] =	ssyncset.done @!p0 $0x0  }
0x39: {  	[sflag:s0] =	ssyncadd.s32 @!p0 $0xFFFF9C00;
	s0 =	simm.s32 $0x180  }
0x3a: {  	v18 =	vor.u32 s0, v8;
	v16 =	vld.idx.msk [tilespmem:v16+s5+$0x0], $0xffff  }
0x3b: {  	v17 =	vld.idx.msk [tilespmem:v17+s5+$0x0], $0xffff;
	_ =	sdelay $0x1  }
0x3c: {  	v19 =	vor.u32 s12, v9  }
0x3d: {  	v20 =	vor.u32 s8, v9  }
0x3e: {  	s2 =	simm.s32 $0x0;
	v18 =	vld.idx.msk [tilespmem:v18+s5+$0x0], $0xffff;
	v16 =	vmul.f32 v16, v0  }
0x3f: {  	s28 =	simm.s32 $0xC900;
	v21 =	vor.u32 s2, v8;
	v17 =	vmul.f32 v17, v0  }
0x40: {  	[tilespmem:s28+$0x0] =	vst v16  }
0x41: {  	v16 =	vor.u32 s0, v9;
	[tilespmem:s28+$0xFFFFFF80] =	vst v17;
	v17 =	vld.idx.msk [tilespmem:v19+s5+$0x0], $0xffff  }
0x42: {  	v19 =	vld.idx.msk [tilespmem:v20+s5+$0x0], $0xffff  }
0x43: {  	v18 =	vmul.f32 v18, v0  }
0x44: {  	v20 =	vld.idx.msk [tilespmem:v21+s5+$0x0], $0xffff;
	v21 =	vor.u32 s12, v10  }
0x45: {  	[tilespmem:s28+$0x80] =	vst v18;
	v18 =	vor.u32 s8, v10  }
0x46: {  	v16 =	vld.idx.msk [tilespmem:v16+s5+$0x0], $0xffff;
	v17 =	vmul.f32 v17, v1  }
0x47: {  	s30 =	simm.s32 $0x280;
	v22 =	vor.u32 s2, v9;
	v19 =	vmul.f32 v19, v1  }
0x48: {  	v23 =	vor.u32 s30, v8;
	[tilespmem:s28+$0x10] =	vst v17  }
0x49: {  	s31 =	simm.s32 $0x300;
	v20 =	vmul.f32 v20, v0;
	v17 =	vor.u32 s0, v10;
	[tilespmem:s28+$0xFFFFFF90] =	vst v19;
	v19 =	vld.idx.msk [tilespmem:v21+s5+$0x0], $0xffff  }
0x4a: {  	s29 =	simm.s32 $0x380;
	v21 =	vor.u32 s31, v8;
	v18 =	vld.idx.msk [tilespmem:v18+s5+$0x0], $0xffff  }
0x4b: {  	[tilespmem:s28+$0xFFFFFF00] =	vst v20;
	v20 =	vor.u32 s29, v8;
	v16 =	vmul.f32 v16, v1  }
0x4c: {  	v24 =	vor.u32 s12, v11;
	v22 =	vld.idx.msk [tilespmem:v22+s5+$0x0], $0xffff  }
0x4d: {  	s3 =	simm.s32 $0x200;
	v23 =	vld.idx.msk [tilespmem:v23+s5+$0x0], $0xffff;
	[tilespmem:s28+$0x90] =	vst v16;
	v16 =	vor.u32 s8, v11  }
0x4e: {  	v25 =	vor.u32 s3, v8;
	v17 =	vld.idx.msk [tilespmem:v17+s5+$0x0], $0xffff;
	v19 =	vmul.f32 v19, v2  }
0x4f: {  	v26 =	vor.u32 s2, v10;
	v21 =	vld.idx.msk [tilespmem:v21+s5+$0x0], $0xffff;
	v18 =	vmul.f32 v18, v2  }
0x50: {  	v20 =	vld.idx.msk [tilespmem:v20+s5+$0x0], $0xffff;
	[tilespmem:s28+$0x20] =	vst v19;
	v19 =	vor.u32 s30, v9  }
0x51: {  	v22 =	vmul.f32 v22, v1;
	[tilespmem:s28+$0xFFFFFFA0] =	vst v18;
	v18 =	vor.u32 s0, v11;
	v24 =	vld.idx.msk [tilespmem:v24+s5+$0x0], $0xffff  }
0x52: {  	v27 =	vor.u32 s31, v9;
	v23 =	vmul.f32 v23, v0;
	v16 =	vld.idx.msk [tilespmem:v16+s5+$0x0], $0xffff  }
0x53: {  	s26 =	simm.s32 $0xCB00;
	[tilespmem:s28+$0xFFFFFF10] =	vst v22;
	v22 =	vld.idx.msk [tilespmem:v25+s5+$0x0], $0xffff;
	v25 =	vor.u32 s29, v9;
	v17 =	vmul.f32 v17, v2  }
0x54: {  	[tilespmem:s26+$0xFFFFFF80] =	vst v23;
	v23 =	vld.idx.msk [tilespmem:v26+s5+$0x0], $0xffff;
	v26 =	vor.u32 s12, v12;
	v21 =	vmul.f32 v21, v0  }
0x55: {  	[tilespmem:s28+$0xA0] =	vst v17;
	v17 =	vmul.f32 v20, v0;
	v20 =	vor.u32 s8, v12;
	v19 =	vld.idx.msk [tilespmem:v19+s5+$0x0], $0xffff  }
0x56: {  	v28 =	vor.u32 s3, v9;
	[tilespmem:s26+$0x0] =	vst v21;
	v18 =	vld.idx.msk [tilespmem:v18+s5+$0x0], $0xffff;
	v21 =	vmul.f32 v24, v3  }
0x57: {  	v24 =	vor.u32 s2, v11;
	[tilespmem:s26+$0x80] =	vst v17;
	v16 =	vmul.f32 v16, v3;
	v17 =	vld.idx.msk [tilespmem:v27+s5+$0x0], $0xffff  }
0x58: {  	v22 =	vmul.f32 v22, v0;
	[tilespmem:s28+$0x30] =	vst v21;
	v21 =	vld.idx.msk [tilespmem:v25+s5+$0x0], $0xffff;
	v25 =	vor.u32 s30, v10  }
0x59: {  	v23 =	vmul.f32 v23, v2;
	[tilespmem:s28+$0xFFFFFFB0] =	vst v16;
	v16 =	vld.idx.msk [tilespmem:v26+s5+$0x0], $0xffff;
	v26 =	vor.u32 s0, v12  }
0x5a: {  	[tilespmem:s26+$0xFFFFFF00] =	vst v22;
	v22 =	vor.u32 s31, v10;
	v20 =	vld.idx.msk [tilespmem:v20+s5+$0x0], $0xffff;
	v19 =	vmul.f32 v19, v1  }
0x5b: {  	v27 =	vor.u32 s29, v10;
	v28 =	vld.idx.msk [tilespmem:v28+s5+$0x0], $0xffff;
	[tilespmem:s28+$0xFFFFFF20] =	vst v23;
	v18 =	vmul.f32 v18, v3  }
0x5c: {  	v23 =	vor.u32 s12, v13;
	[tilespmem:s26+$0xFFFFFF90] =	vst v19;
	v17 =	vmul.f32 v17, v1;
	v19 =	vld.idx.msk [tilespmem:v24+s5+$0x0], $0xffff  }
0x5d: {  	s4 =	simm.s32 $0x580;
	[tilespmem:s28+$0xB0] =	vst v18;
	v18 =	vor.u32 s8, v13;
	v24 =	vld.idx.msk [tilespmem:v25+s5+$0x0], $0xffff;
	v21 =	vmul.f32 v21, v1  }
0x5e: {  	s13 =	simm.s32 $0x400;
	v25 =	vor.u32 s4, v8;
	[tilespmem:s26+$0x10] =	vst v17;
	v17 =	vld.idx.msk [tilespmem:v26+s5+$0x0], $0xffff;
	v16 =	vmul.f32 v16, v4  }
0x5f: {  	s15 =	simm.s32 $0x480;
	v26 =	vor.u32 s13, v8;
	v20 =	vmul.f32 v20, v4;
	v22 =	vld.idx.msk [tilespmem:v22+s5+$0x0], $0xffff;
	[tilespmem:s26+$0x90] =	vst v21  }
0x60: {  	v21 =	vor.u32 s15, v8;
	v27 =	vld.idx.msk [tilespmem:v27+s5+$0x0], $0xffff;
	[tilespmem:s28+$0x40] =	vst v16  }
0x61: {  	s9 =	simm.s32 $0x500;
	[tilespmem:s28+$0xFFFFFFC0] =	vst v20;
	v16 =	vld.idx.msk [tilespmem:v23+s5+$0x0], $0xffff;
	v20 =	vor.u32 s2, v12  }
0x62: {  	v23 =	vmul.f32 v28, v1;
	v28 =	vor.u32 s9, v8;
	v18 =	vld.idx.msk [tilespmem:v18+s5+$0x0], $0xffff  }
0x63: {  	v29 =	vor.u32 s30, v11;
	v19 =	vmul.f32 v19, v3;
	v25 =	vld.idx.msk [tilespmem:v25+s5+$0x0], $0xffff  }
0x64: {  	[tilespmem:s26+$0xFFFFFF10] =	vst v23;
	v23 =	vmul.f32 v24, v2;
	v24 =	vld.idx.msk [tilespmem:v26+s5+$0x0], $0xffff;
	v26 =	vor.u32 s12, v14  }
0x65: {  	[tilespmem:s28+$0xFFFFFF30] =	vst v19;
	v19 =	vmul.f32 v22, v2;
	v21 =	vld.idx.msk [tilespmem:v21+s5+$0x0], $0xffff;
	v22 =	vor.u32 s29, v11  }
0x66: {  	[tilespmem:s26+$0xFFFFFFA0] =	vst v23;
	v23 =	vor.u32 s31, v11;
	v20 =	vld.idx.msk [tilespmem:v20+s5+$0x0], $0xffff;
	v16 =	vmul.f32 v16, v5  }
0x67: {  	v30 =	vor.u32 s8, v14;
	v27 =	vmul.f32 v27, v2;
	[tilespmem:s26+$0x20] =	vst v19;
	v19 =	vld.idx.msk [tilespmem:v28+s5+$0x0], $0xffff  }
0x68: {  	v28 =	vor.u32 s0, v13;
	v29 =	vld.idx.msk [tilespmem:v29+s5+$0x0], $0xffff;
	v18 =	vmul.f32 v18, v5;
	[tilespmem:s28+$0x50] =	vst v16  }
0x69: {  	[tilespmem:s26+$0xA0] =	vst v27;
	v27 =	vor.u32 s13, v9;
	v16 =	vmul.f32 v17, v4;
	v26 =	vld.idx.msk [tilespmem:v26+s5+$0x0], $0xffff  }
0x6a: {  	v17 =	vor.u32 s3, v10;
	[tilespmem:s28+$0xFFFFFFD0] =	vst v18;
	v18 =	vmul.f32 v24, v0;
	v22 =	vld.idx.msk [tilespmem:v22+s5+$0x0], $0xffff  }
0x6b: {  	s21 =	simm.s32 $0xCD00;
	v24 =	vor.u32 s9, v9;
	[tilespmem:s28+$0xC0] =	vst v16;
	v16 =	vmul.f32 v21, v0;
	v21 =	vld.idx.msk [tilespmem:v23+s5+$0x0], $0xffff  }
0x6c: {  	v23 =	vor.u32 s2, v13;
	v30 =	vld.idx.msk [tilespmem:v30+s5+$0x0], $0xffff;
	[tilespmem:s21+$0xFFFFFF00] =	vst v18;
	v18 =	vmul.f32 v25, v0  }
0x6d: {  	v25 =	vld.idx.msk [tilespmem:v28+s5+$0x0], $0xffff;
	v28 =	vor.u32 s15, v9;
	v19 =	vmul.f32 v19, v0;
	[tilespmem:s21+$0xFFFFFF80] =	vst v16  }
0x6e: {  	v16 =	vmul.f32 v20, v4;
	v27 =	vld.idx.msk [tilespmem:v27+s5+$0x0], $0xffff;
	[tilespmem:s21+$0x80] =	vst v18;
	v18 =	vor.u32 s12, v15  }
0x6f: {  	v31 =	vor.u32 s31, v12;
	v29 =	vmul.f32 v29, v3;
	v17 =	vld.idx.msk [tilespmem:v17+s5+$0x0], $0xffff;
	[tilespmem:s21+$0x0] =	vst v19  }
0x70: {  	[tilespmem:s28+$0xFFFFFF40] =	vst v16;
	v16 =	vor.u32 s4, v9;
	v19 =	vmul.f32 v26, v6;
	v20 =	vld.idx.msk [tilespmem:v24+s5+$0x0], $0xffff  }
0x71: {  	[tilespmem:s26+$0xFFFFFFB0] =	vst v29;
	v32 =	vld.idx.msk [tilespmem:v23+s5+$0x0], $0xffff;
	v23 =	vor.u32 s30, v12;
	v21 =	vmul.f32 v21, v3  }
0x72: {  	v33 =	vor.u32 s0, v14;
	v24 =	vmul.f32 v22, v3;
	v28 =	vld.idx.msk [tilespmem:v28+s5+$0x0], $0xffff;
	[tilespmem:s28+$0x60] =	vst v19  }
0x73: {  	v34 =	vor.u32 s8, v15;
	[tilespmem:s26+$0x30] =	vst v21;
	v21 =	vmul.f32 v30, v6;
	v22 =	vld.idx.msk [tilespmem:v18+s5+$0x0], $0xffff  }
0x74: {  	v26 =	vor.u32 s2, v14;
	[tilespmem:s26+$0xB0] =	vst v24;
	v19 =	vld.idx.msk [tilespmem:v31+s5+$0x0], $0xffff;
	v18 =	vmul.f32 v25, v5  }
0x75: {  	v24 =	vor.u32 s3, v11;
	v29 =	vmul.f32 v27, v1;
	v25 =	vld.idx.msk [tilespmem:v16+s5+$0x0], $0xffff;
	[tilespmem:s28+$0xFFFFFFE0] =	vst v21  }
0x76: {  	v27 =	vor.u32 s15, v10;
	v23 =	vld.idx.msk [tilespmem:v23+s5+$0x0], $0xffff;
	v21 =	vmul.f32 v32, v5;
	[tilespmem:s28+$0xD0] =	vst v18  }
0x77: {  	s25 =	sshll.u32 s24, $0x1;
	[tilespmem:s21+$0xFFFFFF10] =	vst v29;
	v29 =	vmul.f32 v17, v2;
	v18 =	vor.u32 s29, v12;
	v17 =	vld.idx.msk [tilespmem:v33+s5+$0x0], $0xffff  }
0x78: {  	s22 =	simm.s32 $0xC;
	s8 =	simm.s32 $0xCD00;
	s12 =	sadd.s32 s6, s25;
	v16 =	vor.u32 s4, v10;
	v30 =	vmul.f32 v28, v1;
	v28 =	vor.u32 s9, v10;
	[tilespmem:s28+$0xFFFFFF50] =	vst v21;
	v21 =	vld.idx.msk [tilespmem:v34+s5+$0x0], $0xffff  }
.LBB2_3:
0x79: {  	s18 =	sshll.u32 s22, $0x7;
	p1 =	slt.u32 s22, $0xC4;
	s22 =	sadd.s32 $0x4, s22;
	[tilespmem:s26+$0xFFFFFF20] =	vst v29;
	v29 =	vor.u32 s31, v13;
	v26 =	vld.idx.msk [tilespmem:v26+s5+$0x0], $0xffff;
	v22 =	vmul.f32 v22, v7  }
0x7a: {  	v20 =	vmul.f32 v20, v1;
	v31 =	vor.u32 s18, v8;
	s14 =	sadd.s32 $0x80, s18;
	s20 =	sadd.s32 $0x180, s18;
	[tilespmem:s21+$0xFFFFFF90] =	vst v30;
	v24 =	vld.idx.msk [tilespmem:v24+s5+$0x0], $0xffff;
	v30 =	vor.u32 s30, v13  }
0x7b: {  	s23 =	sadd.s32 $0x100, s18;
	v25 =	vmul.f32 v25, v1;
	v32 =	vor.u32 s14, v8;
	v33 =	vor.u32 s20, v8;
	v27 =	vld.idx.msk [tilespmem:v27+s5+$0x0], $0xffff;
	[tilespmem:s28+$0x70] =	vst v22  }
0x7c: {  	v22 =	vor.u32 s23, v8;
	v34 =	vor.u32 s20, v10;
	[tilespmem:s21+$0x10] =	vst v20;
	v20 =	vmul.f32 v23, v4;
	v18 =	vld.idx.msk [tilespmem:v18+s5+$0x0], $0xffff  }
0x7d: {  	v19 =	vmul.f32 v19, v4;
	v23 =	vld.idx.msk [tilespmem:v28+s5+$0x0], $0xffff;
	[tilespmem:s21+$0x90] =	vst v25;
	v25 =	vor.u32 s2, v15;
	s2 =	smov.u32 s3;
	s3 =	smov.u32 s13;
	s13 =	smov.u32 s18  }
0x7e: {  	v28 =	vld.idx.msk [tilespmem:v16+s5+$0x0], $0xffff;
	[tilespmem:s26+$0xFFFFFFC0] =	vst v20;
	v20 =	vmul.f32 v21, v7;
	v16 =	vmov v34  }
0x7f: {  	v21 =	vld.idx.msk [tilespmem:v30+s5+$0x0], $0xffff;
	[tilespmem:s26+$0x40] =	vst v19;
	v19 =	vmul.f32 v26, v6;
	v26 =	vor.u32 s0, v15;
	s0 =	smov.u32 s29;
	s29 =	smov.u32 s4;
	s4 =	smov.u32 s20  }
0x80: {  	v24 =	vmul.f32 v24, v3;
	v29 =	vld.idx.msk [tilespmem:v29+s5+$0x0], $0xffff;
	[tilespmem:s28+$0xFFFFFFF0] =	vst v20  }
0x81: {  	v17 =	vmul.f32 v17, v6;
	v30 =	vor.u32 s2, v12;
	v27 =	vmul.f32 v27, v2;
	v20 =	vld.idx.msk [tilespmem:v33+s5+$0x0], $0xffff;
	[tilespmem:s28+$0xFFFFFF60] =	vst v19  }
0x82: {  	v18 =	vmul.f32 v18, v4;
	[tilespmem:s26+$0xFFFFFF30] =	vst v24;
	v19 =	vld.idx.msk [tilespmem:v25+s5+$0x0], $0xffff  }
0x83: {  	v25 =	vor.u32 s13, v9;
	v23 =	vmul.f32 v23, v2;
	v24 =	vld.idx.msk [tilespmem:v31+s5+$0x0], $0xffff;
	[tilespmem:s21+$0xFFFFFFA0] =	vst v27;
	v27 =	vor.u32 s15, v11  }
0x84: {  	v28 =	vmul.f32 v28, v2;
	v31 =	vld.idx.msk [tilespmem:v32+s5+$0x0], $0xffff;
	v32 =	vor.u32 s31, v14;
	[tilespmem:s28+$0xE0] =	vst v17  }
0x85: {  	v17 =	vor.u32 s29, v11;
	v21 =	vmul.f32 v21, v5;
	[tilespmem:s21+$0x20] =	vst v23;
	v23 =	vld.idx.msk [tilespmem:v26+s5+$0x0], $0xffff  }
0x86: {  	v26 =	vor.u32 s9, v11;
	s21 =	sadd.s32 $0x200, s21;
	v29 =	vmul.f32 v29, v5;
	[tilespmem:s8+$0xA0] =	vst v28;
	v28 =	vld.idx.msk [tilespmem:v30+s5+$0x0], $0xffff  }
0x87: {  	v30 =	vor.u32 s14, v9;
	v22 =	vld.idx.msk [tilespmem:v22+s5+$0x0], $0xffff;
	[tilespmem:s26+$0xFFFFFFD0] =	vst v21;
	v21 =	vor.u32 s0, v13  }
0x88: {  	v34 =	vor.u32 s30, v14;
	v33 =	vor.u32 s3, v10;
	v19 =	vmul.f32 v19, v7;
	v27 =	vld.idx.msk [tilespmem:v27+s5+$0x0], $0xffff;
	[tilespmem:s26+$0x50] =	vst v29  }
0x89: {  	v35 =	vor.u32 s4, v9;
	v24 =	vmul.f32 v24, v0;
	v29 =	vor.u32 s23, v9;
	v32 =	vld.idx.msk [tilespmem:v32+s5+$0x0], $0xffff;
	[tilespmem:s26+$0xC0] =	vst v18  }
0x8a: {  	v18 =	vmul.f32 v31, v0;
	v17 =	vld.idx.msk [tilespmem:v17+s5+$0x0], $0xffff;
	[tilespmem:s28+$0xFFFFFF70] =	vst v19  }
0x8b: {  	v19 =	vmul.f32 v20, v0;
	v20 =	vor.u32 s2, v13;
	v23 =	vmul.f32 v23, v7;
	[tilespmem:s21+$0xFFFFFF00] =	vst v24;
	v24 =	vld.idx.msk [tilespmem:v26+s5+$0x0], $0xffff  }
0x8c: {  	[tilespmem:s21+$0xFFFFFF80] =	vst v18;
	v18 =	vld.idx.msk [tilespmem:v21+s5+$0x0], $0xffff  }
0x8d: {  	v21 =	vmul.f32 v22, v0;
	v22 =	vmul.f32 v28, v4;
	v26 =	vld.idx.msk [tilespmem:v34+s5+$0x0], $0xffff;
	[tilespmem:s28+$0xF0] =	vst v23;
	s28 =	smov.u32 s26;
	s26 =	smov.u32 s8;
	s8 =	smov.u32 s21  }
0x8e: {  	v23 =	vor.u32 s31, v15;
	s31 =	smov.u32 s9;
	s9 =	smov.u32 s23;
	[tilespmem:s21+$0x80] =	vst v19;
	v28 =	vld.idx.msk [tilespmem:v33+s5+$0x0], $0xffff;
	v19 =	vmul.f32 v27, v3  }
0x8f: {  	v27 =	vor.u32 s31, v12;
	v25 =	vld.idx.msk [tilespmem:v25+s5+$0x0], $0xffff;
	[tilespmem:s28+$0xFFFFFF40] =	vst v22  }
0x90: {  	v22 =	vmul.f32 v32, v6;
	[tilespmem:s21+$0x0] =	vst v21;
	v21 =	vld.idx.msk [tilespmem:v20+s5+$0x0], $0xffff  }
0x91: {  	v20 =	vld.idx.msk [tilespmem:v29+s5+$0x0], $0xffff;
	[tilespmem:s26+$0xFFFFFFB0] =	vst v19;
	v29 =	vor.u32 s15, v12;
	v19 =	vmul.f32 v24, v3  }
0x92: {  	v31 =	vor.u32 s0, v14;
	v17 =	vmul.f32 v17, v3;
	v30 =	vld.idx.msk [tilespmem:v30+s5+$0x0], $0xffff;
	[tilespmem:s28+$0x60] =	vst v22  }
0x93: {  	v33 =	vor.u32 s30, v15;
	s30 =	smov.u32 s15;
	s15 =	smov.u32 s14;
	v32 =	vmul.f32 v26, v6;
	[tilespmem:s26+$0x30] =	vst v19;
	v22 =	vld.idx.msk [tilespmem:v23+s5+$0x0], $0xffff  }
.Ltmp2:
0x94: {  	v26 =	vor.u32 s2, v14;
	v19 =	vld.idx.msk [tilespmem:v27+s5+$0x0], $0xffff;
	[tilespmem:s26+$0xB0] =	vst v17;
	v17 =	vmul.f32 v18, v5;
	(pc) =	sbr.rel @p1 .LBB2_3-.Ltmp2, $4  }
0x95: {  	v24 =	vor.u32 s3, v11;
	v18 =	vmul.f32 v25, v1;
	v25 =	vld.idx.msk [tilespmem:v35+s5+$0x0], $0xffff;
	[tilespmem:s28+$0xFFFFFFE0] =	vst v32  }
0x96: {  	v27 =	vor.u32 s15, v10;
	v21 =	vmul.f32 v21, v5;
	v23 =	vld.idx.msk [tilespmem:v29+s5+$0x0], $0xffff;
	[tilespmem:s28+$0xD0] =	vst v17  }
0x97: {  	v29 =	vmul.f32 v28, v2;
	[tilespmem:s21+$0xFFFFFF10] =	vst v18;
	v18 =	vor.u32 s29, v12;
	v17 =	vld.idx.msk [tilespmem:v31+s5+$0x0], $0xffff  }
0x98: {  	v28 =	vor.u32 s9, v10;
	v30 =	vmul.f32 v30, v1;
	[tilespmem:s28+$0xFFFFFF50] =	vst v21;
	v21 =	vld.idx.msk [tilespmem:v33+s5+$0x0], $0xffff  }
0x99: {  	_ = 	snop  }
0x9a: {  	v20 =	vmul.f32 v20, v1;
	v31 =	vor.u32 s13, v10;
	_ =	sdelay $0x1  }
0x9b: {  	[tilespmem:s21+$0x10] =	vst v20  }
0x9c: {  	[tilespmem:s21+$0xFFFFFF90] =	vst v30;
	v20 =	vmul.f32 v25, v1;
	v25 =	vld.idx.msk [tilespmem:v28+s5+$0x0], $0xffff  }
0x9d: {  	v27 =	vld.idx.msk [tilespmem:v27+s5+$0x0], $0xffff  }
0x9e: {  	v22 =	vmul.f32 v22, v7;
	[tilespmem:s21+$0x90] =	vst v20;
	v20 =	vld.idx.msk [tilespmem:v31+s5+$0x0], $0xffff  }
0x9f: {  	[tilespmem:s26+$0xFFFFFF20] =	vst v29;
	v23 =	vmul.f32 v23, v4;
	v28 =	vor.u32 s9, v11;
	v16 =	vld.idx.msk [tilespmem:v16+s5+$0x0], $0xffff  }
0xa0: {  	v19 =	vmul.f32 v19, v4;
	[tilespmem:s28+$0x70] =	vst v22;
	v22 =	vor.u32 s15, v11  }
0xa1: {  	v26 =	vld.idx.msk [tilespmem:v26+s5+$0x0], $0xffff;
	[tilespmem:s26+$0xFFFFFFC0] =	vst v23;
	v23 =	vmul.f32 v25, v2;
	v25 =	vor.u32 s13, v11  }
0xa2: {  	v24 =	vld.idx.msk [tilespmem:v24+s5+$0x0], $0xffff;
	[tilespmem:s26+$0x40] =	vst v19;
	v19 =	vmul.f32 v27, v2;
	v27 =	vor.u32 s4, v11  }
0xa3: {  	v29 =	vor.u32 s30, v13;
	[tilespmem:s21+$0x20] =	vst v23;
	v20 =	vmul.f32 v20, v2  }
0xa4: {  	[tilespmem:s21+$0xFFFFFFA0] =	vst v19;
	v23 =	vor.u32 s31, v13;
	v16 =	vmul.f32 v16, v2;
	v19 =	vld.idx.msk [tilespmem:v28+s5+$0x0], $0xffff  }
0xa5: {  	v21 =	vmul.f32 v21, v7;
	v22 =	vld.idx.msk [tilespmem:v22+s5+$0x0], $0xffff;
	v28 =	vor.u32 s3, v12;
	[tilespmem:s8+$0xFFFFFF20] =	vst v20  }
0xa6: {  	v20 =	vmul.f32 v26, v6;
	[tilespmem:s8+$0xA0] =	vst v16;
	v16 =	vld.idx.msk [tilespmem:v25+s5+$0x0], $0xffff  }
0xa7: {  	v24 =	vmul.f32 v24, v3;
	[tilespmem:s28+$0xFFFFFFF0] =	vst v21;
	v21 =	vld.idx.msk [tilespmem:v27+s5+$0x0], $0xffff;
	v25 =	vor.u32 s9, v12  }
0xa8: {  	v17 =	vmul.f32 v17, v6;
	v26 =	vld.idx.msk [tilespmem:v29+s5+$0x0], $0xffff;
	[tilespmem:s28+$0xFFFFFF60] =	vst v20;
	v20 =	vor.u32 s15, v12  }
0xa9: {  	[tilespmem:s26+$0xFFFFFF30] =	vst v24;
	v24 =	vor.u32 s13, v12;
	v23 =	vld.idx.msk [tilespmem:v23+s5+$0x0], $0xffff;
	v19 =	vmul.f32 v19, v3  }
0xaa: {  	[tilespmem:s28+$0xE0] =	vst v17;
	v27 =	vor.u32 s4, v12;
	v22 =	vmul.f32 v22, v3;
	v17 =	vld.idx.msk [tilespmem:v28+s5+$0x0], $0xffff  }
0xab: {  	v18 =	vld.idx.msk [tilespmem:v18+s5+$0x0], $0xffff;
	v28 =	vor.u32 s2, v15;
	[tilespmem:s8+$0x30] =	vst v19;
	v16 =	vmul.f32 v16, v3  }
0xac: {  	[tilespmem:s8+$0xFFFFFFB0] =	vst v22;
	v19 =	vor.u32 s0, v15;
	v21 =	vmul.f32 v21, v3;
	v22 =	vld.idx.msk [tilespmem:v25+s5+$0x0], $0xffff  }
0xad: {  	v25 =	vmul.f32 v26, v5;
	v26 =	vor.u32 s3, v13;
	v20 =	vld.idx.msk [tilespmem:v20+s5+$0x0], $0xffff;
	[tilespmem:s8+$0xFFFFFF30] =	vst v16  }
0xae: {  	v16 =	vmul.f32 v23, v5;
	v23 =	vor.u32 s29, v13;
	[tilespmem:s8+$0xB0] =	vst v21;
	v21 =	vld.idx.msk [tilespmem:v24+s5+$0x0], $0xffff  }
0xaf: {  	[tilespmem:s26+$0xFFFFFFD0] =	vst v25;
	v17 =	vmul.f32 v17, v4;
	v24 =	vor.u32 s9, v13;
	v25 =	vld.idx.msk [tilespmem:v27+s5+$0x0], $0xffff  }
0xb0: {  	v18 =	vmul.f32 v18, v4;
	v27 =	vld.idx.msk [tilespmem:v28+s5+$0x0], $0xffff;
	[tilespmem:s26+$0x50] =	vst v16;
	v16 =	vor.u32 s15, v13  }
0xb1: {  	v19 =	vld.idx.msk [tilespmem:v19+s5+$0x0], $0xffff;
	[tilespmem:s26+$0xFFFFFF40] =	vst v17;
	v17 =	vmul.f32 v22, v4;
	v22 =	vor.u32 s13, v13  }
0xb2: {  	[tilespmem:s26+$0xC0] =	vst v18;
	v18 =	vld.idx.msk [tilespmem:v26+s5+$0x0], $0xffff;
	v20 =	vmul.f32 v20, v4;
	v26 =	vor.u32 s4, v13  }
0xb3: {  	v28 =	vor.u32 s31, v14;
	v23 =	vld.idx.msk [tilespmem:v23+s5+$0x0], $0xffff;
	[tilespmem:s8+$0x40] =	vst v17;
	v17 =	vmul.f32 v21, v4  }
0xb4: {  	v21 =	vor.u32 s30, v14;
	[tilespmem:s8+$0xFFFFFFC0] =	vst v20;
	v20 =	vld.idx.msk [tilespmem:v24+s5+$0x0], $0xffff;
	v24 =	vmul.f32 v25, v4  }
0xb5: {  	v25 =	vmul.f32 v27, v7;
	v27 =	vor.u32 s3, v14;
	v16 =	vld.idx.msk [tilespmem:v16+s5+$0x0], $0xffff;
	[tilespmem:s8+$0xFFFFFF40] =	vst v17  }
0xb6: {  	v17 =	vmul.f32 v19, v7;
	v19 =	vor.u32 s29, v14;
	[tilespmem:s8+$0xC0] =	vst v24;
	v22 =	vld.idx.msk [tilespmem:v22+s5+$0x0], $0xffff  }
0xb7: {  	[tilespmem:s28+$0xFFFFFF70] =	vst v25;
	v18 =	vmul.f32 v18, v5;
	v24 =	vor.u32 s9, v14;
	v25 =	vld.idx.msk [tilespmem:v26+s5+$0x0], $0xffff  }
0xb8: {  	v26 =	vld.idx.msk [tilespmem:v28+s5+$0x0], $0xffff;
	[tilespmem:s28+$0xF0] =	vst v17;
	v17 =	vmul.f32 v23, v5;
	v23 =	vor.u32 s15, v14  }
0xb9: {  	v21 =	vld.idx.msk [tilespmem:v21+s5+$0x0], $0xffff;
	[tilespmem:s26+$0xFFFFFF50] =	vst v18;
	v18 =	vmul.f32 v20, v5;
	v20 =	vor.u32 s13, v14  }
0xba: {  	[tilespmem:s26+$0xD0] =	vst v17;
	v17 =	vld.idx.msk [tilespmem:v27+s5+$0x0], $0xffff;
	v16 =	vmul.f32 v16, v5;
	v27 =	vor.u32 s4, v14  }
0xbb: {  	v28 =	vor.u32 s31, v15;
	v19 =	vld.idx.msk [tilespmem:v19+s5+$0x0], $0xffff;
	[tilespmem:s8+$0x50] =	vst v18;
	v18 =	vmul.f32 v22, v5  }
0xbc: {  	v22 =	vor.u32 s30, v15;
	[tilespmem:s8+$0xFFFFFFD0] =	vst v16;
	v16 =	vld.idx.msk [tilespmem:v24+s5+$0x0], $0xffff;
	v24 =	vmul.f32 v25, v5  }
0xbd: {  	v25 =	vmul.f32 v26, v6;
	v26 =	vor.u32 s3, v15;
	v23 =	vld.idx.msk [tilespmem:v23+s5+$0x0], $0xffff;
	[tilespmem:s8+$0xFFFFFF50] =	vst v18  }
0xbe: {  	v18 =	vmul.f32 v21, v6;
	v21 =	vor.u32 s29, v15;
	[tilespmem:s8+$0xD0] =	vst v24;
	v20 =	vld.idx.msk [tilespmem:v20+s5+$0x0], $0xffff  }
0xbf: {  	[tilespmem:s26+$0x60] =	vst v25;
	v17 =	vmul.f32 v17, v6;
	v24 =	vor.u32 s9, v15;
	v25 =	vld.idx.msk [tilespmem:v27+s5+$0x0], $0xffff  }
0xc0: {  	v27 =	vld.idx.msk [tilespmem:v28+s5+$0x0], $0xffff;
	[tilespmem:s26+$0xFFFFFFE0] =	vst v18;
	v18 =	vmul.f32 v19, v6;
	v19 =	vor.u32 s15, v15  }
0xc1: {  	v22 =	vld.idx.msk [tilespmem:v22+s5+$0x0], $0xffff;
	[tilespmem:s26+$0xFFFFFF60] =	vst v17;
	v17 =	vor.u32 s13, v15;
	v16 =	vmul.f32 v16, v6  }
0xc2: {  	v26 =	vld.idx.msk [tilespmem:v26+s5+$0x0], $0xffff;
	[tilespmem:s26+$0xE0] =	vst v18;
	v18 =	vmul.f32 v23, v6;
	v23 =	vor.u32 s4, v15  }
0xc3: {  	v21 =	vld.idx.msk [tilespmem:v21+s5+$0x0], $0xffff;
	[tilespmem:s8+$0x60] =	vst v16;
	v16 =	vmul.f32 v20, v6  }
0xc4: {  	[tilespmem:s8+$0xFFFFFFE0] =	vst v18;
	v20 =	vld.idx.msk [tilespmem:v24+s5+$0x0], $0xffff;
	v18 =	vmul.f32 v25, v6  }
0xc5: {  	v24 =	vmul.f32 v27, v7;
	v19 =	vld.idx.msk [tilespmem:v19+s5+$0x0], $0xffff;
	[tilespmem:s8+$0xFFFFFF60] =	vst v16  }
0xc6: {  	v16 =	vmul.f32 v22, v7;
	v17 =	vld.idx.msk [tilespmem:v17+s5+$0x0], $0xffff;
	[tilespmem:s8+$0xE0] =	vst v18  }
0xc7: {  	[tilespmem:s26+$0x70] =	vst v24;
	v18 =	vmul.f32 v26, v7;
	v22 =	vld.idx.msk [tilespmem:v23+s5+$0x0], $0xffff  }
0xc8: {  	[tilespmem:s26+$0xFFFFFFF0] =	vst v16;
	v16 =	vmul.f32 v21, v7  }
0xc9: {  	[tilespmem:s26+$0xFFFFFF70] =	vst v18;
	v18 =	vmul.f32 v20, v7  }
0xca: {  	[tilespmem:s26+$0xF0] =	vst v16;
	v16 =	vmul.f32 v19, v7  }
0xcb: {  	[tilespmem:s8+$0x70] =	vst v18;
	v17 =	vmul.f32 v17, v7  }
0xcc: {  	p1 =	seq.s32 s24, $0xF;
	s15 =	smul.u32 $0xC80, s12;
	[tilespmem:s8+$0xFFFFFFF0] =	vst v16;
	v16 =	vmul.f32 v22, v7  }
0xcd: {  	s2 =	sadd.s32 @!p1 s25, s10;
	[tilespmem:s8+$0xFFFFFF70] =	vst v17  }
0xce: {  	s18 =	simm.s32 $0xC800;
	s2 =	smul.u32 @!p1 $0xC80, s2;
	s0 =	sadd.s32 s7, s15;
	[tilespmem:s8+$0xF0] =	vst v16  }
0xcf: {  	[hbm4b:s0+s5] =	stream.linear.scatter [tilespmem:s18], [sflag:$0x3], $0x6400, $0x38;
	[tilespmem:$0x19400] =	vst v63  }
0xd0: {  	s0 =	sadd.s32 @!p1 s1, s2;
	s2 =	simm.s32 @!p1 $0x0  }
0xd1: {  	[tilespmem:s2], [sflag:$0x1] =	stream.linear.gather @!p1 [hbm4b:s0+s2], $0x6400, $0x38;
	[tilespmem:$0x19400] =	vst v63  }
0xd2: {  	s20 =	simm.s32 $0x100;
	_ =	swait.ge [sflag:s19], $0x6400  }
0xd3: {  	s22 =	simm.s32 $0x80;
	v16 =	vor.u32 s20, v8;
	[sflag:s19] =	ssyncset.done $0x0  }
0xd4: {  	v17 =	vor.u32 s22, v8;
	s0 =	simm.s32 @!p0 $0x4;
	[sflag:s19] =	ssyncadd.s32 $0xFFFF9C00  }
0xd5: {  	_ =	swait.ge @!p0 [sflag:s0], $0x6400  }
0xd6: {  	[sflag:s0] =	ssyncset.done @!p0 $0x0  }
0xd7: {  	[sflag:s0] =	ssyncadd.s32 @!p0 $0xFFFF9C00;
	s0 =	simm.s32 $0x180  }
0xd8: {  	v18 =	vor.u32 s0, v8;
	v16 =	vld.idx.msk [tilespmem:v16+s16+$0x0], $0xffff  }
0xd9: {  	v17 =	vld.idx.msk [tilespmem:v17+s16+$0x0], $0xffff;
	_ =	sdelay $0x1  }
0xda: {  	v19 =	vor.u32 s20, v9  }
0xdb: {  	v20 =	vor.u32 s22, v9  }
0xdc: {  	s2 =	simm.s32 $0x0;
	v18 =	vld.idx.msk [tilespmem:v18+s16+$0x0], $0xffff;
	v16 =	vmul.f32 v16, v0  }
0xdd: {  	s28 =	simm.s32 $0x12D00;
	v21 =	vor.u32 s2, v8;
	v17 =	vmul.f32 v17, v0  }
0xde: {  	[tilespmem:s28+$0x0] =	vst v16  }
0xdf: {  	v16 =	vor.u32 s0, v9;
	[tilespmem:s28+$0xFFFFFF80] =	vst v17;
	v17 =	vld.idx.msk [tilespmem:v19+s16+$0x0], $0xffff  }
0xe0: {  	v19 =	vld.idx.msk [tilespmem:v20+s16+$0x0], $0xffff  }
0xe1: {  	v18 =	vmul.f32 v18, v0  }
0xe2: {  	v20 =	vld.idx.msk [tilespmem:v21+s16+$0x0], $0xffff;
	v21 =	vor.u32 s20, v10  }
0xe3: {  	[tilespmem:s28+$0x80] =	vst v18;
	v18 =	vor.u32 s22, v10  }
0xe4: {  	v16 =	vld.idx.msk [tilespmem:v16+s16+$0x0], $0xffff;
	v17 =	vmul.f32 v17, v1  }
0xe5: {  	s30 =	simm.s32 $0x280;
	v22 =	vor.u32 s2, v9;
	v19 =	vmul.f32 v19, v1  }
0xe6: {  	v23 =	vor.u32 s30, v8;
	[tilespmem:s28+$0x10] =	vst v17  }
0xe7: {  	s31 =	simm.s32 $0x300;
	v20 =	vmul.f32 v20, v0;
	v17 =	vor.u32 s0, v10;
	[tilespmem:s28+$0xFFFFFF90] =	vst v19;
	v19 =	vld.idx.msk [tilespmem:v21+s16+$0x0], $0xffff  }
0xe8: {  	s29 =	simm.s32 $0x380;
	v21 =	vor.u32 s31, v8;
	v18 =	vld.idx.msk [tilespmem:v18+s16+$0x0], $0xffff  }
0xe9: {  	[tilespmem:s28+$0xFFFFFF00] =	vst v20;
	v20 =	vor.u32 s29, v8;
	v16 =	vmul.f32 v16, v1  }
0xea: {  	v24 =	vor.u32 s20, v11;
	v22 =	vld.idx.msk [tilespmem:v22+s16+$0x0], $0xffff  }
0xeb: {  	s3 =	simm.s32 $0x200;
	v23 =	vld.idx.msk [tilespmem:v23+s16+$0x0], $0xffff;
	[tilespmem:s28+$0x90] =	vst v16;
	v16 =	vor.u32 s22, v11  }
0xec: {  	v25 =	vor.u32 s3, v8;
	v17 =	vld.idx.msk [tilespmem:v17+s16+$0x0], $0xffff;
	v19 =	vmul.f32 v19, v2  }
0xed: {  	v26 =	vor.u32 s2, v10;
	v21 =	vld.idx.msk [tilespmem:v21+s16+$0x0], $0xffff;
	v18 =	vmul.f32 v18, v2  }
0xee: {  	v20 =	vld.idx.msk [tilespmem:v20+s16+$0x0], $0xffff;
	[tilespmem:s28+$0x20] =	vst v19;
	v19 =	vor.u32 s30, v9  }
0xef: {  	v22 =	vmul.f32 v22, v1;
	[tilespmem:s28+$0xFFFFFFA0] =	vst v18;
	v18 =	vor.u32 s0, v11;
	v24 =	vld.idx.msk [tilespmem:v24+s16+$0x0], $0xffff  }
0xf0: {  	v27 =	vor.u32 s31, v9;
	v23 =	vmul.f32 v23, v0;
	v16 =	vld.idx.msk [tilespmem:v16+s16+$0x0], $0xffff  }
0xf1: {  	s26 =	simm.s32 $0x12F00;
	[tilespmem:s28+$0xFFFFFF10] =	vst v22;
	v22 =	vld.idx.msk [tilespmem:v25+s16+$0x0], $0xffff;
	v25 =	vor.u32 s29, v9;
	v17 =	vmul.f32 v17, v2  }
0xf2: {  	[tilespmem:s26+$0xFFFFFF80] =	vst v23;
	v23 =	vld.idx.msk [tilespmem:v26+s16+$0x0], $0xffff;
	v26 =	vor.u32 s20, v12;
	v21 =	vmul.f32 v21, v0  }
0xf3: {  	[tilespmem:s28+$0xA0] =	vst v17;
	v17 =	vmul.f32 v20, v0;
	v20 =	vor.u32 s22, v12;
	v19 =	vld.idx.msk [tilespmem:v19+s16+$0x0], $0xffff  }
0xf4: {  	v28 =	vor.u32 s3, v9;
	[tilespmem:s26+$0x0] =	vst v21;
	v18 =	vld.idx.msk [tilespmem:v18+s16+$0x0], $0xffff;
	v21 =	vmul.f32 v24, v3  }
0xf5: {  	v24 =	vor.u32 s2, v11;
	[tilespmem:s26+$0x80] =	vst v17;
	v16 =	vmul.f32 v16, v3;
	v17 =	vld.idx.msk [tilespmem:v27+s16+$0x0], $0xffff  }
0xf6: {  	v22 =	vmul.f32 v22, v0;
	[tilespmem:s28+$0x30] =	vst v21;
	v21 =	vld.idx.msk [tilespmem:v25+s16+$0x0], $0xffff;
	v25 =	vor.u32 s30, v10  }
0xf7: {  	v23 =	vmul.f32 v23, v2;
	[tilespmem:s28+$0xFFFFFFB0] =	vst v16;
	v16 =	vld.idx.msk [tilespmem:v26+s16+$0x0], $0xffff;
	v26 =	vor.u32 s0, v12  }
0xf8: {  	[tilespmem:s26+$0xFFFFFF00] =	vst v22;
	v22 =	vor.u32 s31, v10;
	v20 =	vld.idx.msk [tilespmem:v20+s16+$0x0], $0xffff;
	v19 =	vmul.f32 v19, v1  }
0xf9: {  	v27 =	vor.u32 s29, v10;
	v28 =	vld.idx.msk [tilespmem:v28+s16+$0x0], $0xffff;
	[tilespmem:s28+$0xFFFFFF20] =	vst v23;
	v18 =	vmul.f32 v18, v3  }
0xfa: {  	v23 =	vor.u32 s20, v13;
	[tilespmem:s26+$0xFFFFFF90] =	vst v19;
	v17 =	vmul.f32 v17, v1;
	v19 =	vld.idx.msk [tilespmem:v24+s16+$0x0], $0xffff  }
0xfb: {  	s4 =	simm.s32 $0x580;
	[tilespmem:s28+$0xB0] =	vst v18;
	v18 =	vor.u32 s22, v13;
	v24 =	vld.idx.msk [tilespmem:v25+s16+$0x0], $0xffff;
	v21 =	vmul.f32 v21, v1  }
0xfc: {  	s13 =	simm.s32 $0x400;
	v25 =	vor.u32 s4, v8;
	[tilespmem:s26+$0x10] =	vst v17;
	v17 =	vld.idx.msk [tilespmem:v26+s16+$0x0], $0xffff;
	v16 =	vmul.f32 v16, v4  }
0xfd: {  	s15 =	simm.s32 $0x480;
	v26 =	vor.u32 s13, v8;
	v20 =	vmul.f32 v20, v4;
	v22 =	vld.idx.msk [tilespmem:v22+s16+$0x0], $0xffff;
	[tilespmem:s26+$0x90] =	vst v21  }
0xfe: {  	v21 =	vor.u32 s15, v8;
	v27 =	vld.idx.msk [tilespmem:v27+s16+$0x0], $0xffff;
	[tilespmem:s28+$0x40] =	vst v16  }
0xff: {  	s9 =	simm.s32 $0x500;
	[tilespmem:s28+$0xFFFFFFC0] =	vst v20;
	v16 =	vld.idx.msk [tilespmem:v23+s16+$0x0], $0xffff;
	v20 =	vor.u32 s2, v12  }
0x100: {  	v23 =	vmul.f32 v28, v1;
	v28 =	vor.u32 s9, v8;
	v18 =	vld.idx.msk [tilespmem:v18+s16+$0x0], $0xffff  }
0x101: {  	v29 =	vor.u32 s30, v11;
	v19 =	vmul.f32 v19, v3;
	v25 =	vld.idx.msk [tilespmem:v25+s16+$0x0], $0xffff  }
0x102: {  	[tilespmem:s26+$0xFFFFFF10] =	vst v23;
	v23 =	vmul.f32 v24, v2;
	v24 =	vld.idx.msk [tilespmem:v26+s16+$0x0], $0xffff;
	v26 =	vor.u32 s20, v14  }
0x103: {  	[tilespmem:s28+$0xFFFFFF30] =	vst v19;
	v19 =	vmul.f32 v22, v2;
	v21 =	vld.idx.msk [tilespmem:v21+s16+$0x0], $0xffff;
	v22 =	vor.u32 s29, v11  }
0x104: {  	[tilespmem:s26+$0xFFFFFFA0] =	vst v23;
	v23 =	vor.u32 s31, v11;
	v20 =	vld.idx.msk [tilespmem:v20+s16+$0x0], $0xffff;
	v16 =	vmul.f32 v16, v5  }
0x105: {  	v30 =	vor.u32 s22, v14;
	v27 =	vmul.f32 v27, v2;
	[tilespmem:s26+$0x20] =	vst v19;
	v19 =	vld.idx.msk [tilespmem:v28+s16+$0x0], $0xffff  }
0x106: {  	v28 =	vor.u32 s0, v13;
	v29 =	vld.idx.msk [tilespmem:v29+s16+$0x0], $0xffff;
	v18 =	vmul.f32 v18, v5;
	[tilespmem:s28+$0x50] =	vst v16  }
0x107: {  	[tilespmem:s26+$0xA0] =	vst v27;
	v27 =	vor.u32 s13, v9;
	v16 =	vmul.f32 v17, v4;
	v26 =	vld.idx.msk [tilespmem:v26+s16+$0x0], $0xffff  }
0x108: {  	v17 =	vor.u32 s3, v10;
	[tilespmem:s28+$0xFFFFFFD0] =	vst v18;
	v18 =	vmul.f32 v24, v0;
	v22 =	vld.idx.msk [tilespmem:v22+s16+$0x0], $0xffff  }
0x109: {  	s21 =	simm.s32 $0x13100;
	v24 =	vor.u32 s9, v9;
	[tilespmem:s28+$0xC0] =	vst v16;
	v16 =	vmul.f32 v21, v0;
	v21 =	vld.idx.msk [tilespmem:v23+s16+$0x0], $0xffff  }
0x10a: {  	v23 =	vor.u32 s2, v13;
	v30 =	vld.idx.msk [tilespmem:v30+s16+$0x0], $0xffff;
	[tilespmem:s21+$0xFFFFFF00] =	vst v18;
	v18 =	vmul.f32 v25, v0  }
0x10b: {  	v25 =	vld.idx.msk [tilespmem:v28+s16+$0x0], $0xffff;
	v28 =	vor.u32 s15, v9;
	v19 =	vmul.f32 v19, v0;
	[tilespmem:s21+$0xFFFFFF80] =	vst v16  }
0x10c: {  	v16 =	vmul.f32 v20, v4;
	v27 =	vld.idx.msk [tilespmem:v27+s16+$0x0], $0xffff;
	[tilespmem:s21+$0x80] =	vst v18;
	v18 =	vor.u32 s20, v15  }
0x10d: {  	v31 =	vor.u32 s31, v12;
	v29 =	vmul.f32 v29, v3;
	v17 =	vld.idx.msk [tilespmem:v17+s16+$0x0], $0xffff;
	[tilespmem:s21+$0x0] =	vst v19  }
0x10e: {  	[tilespmem:s28+$0xFFFFFF40] =	vst v16;
	v16 =	vor.u32 s4, v9;
	v19 =	vmul.f32 v26, v6;
	v20 =	vld.idx.msk [tilespmem:v24+s16+$0x0], $0xffff  }
0x10f: {  	[tilespmem:s26+$0xFFFFFFB0] =	vst v29;
	v32 =	vld.idx.msk [tilespmem:v23+s16+$0x0], $0xffff;
	v23 =	vor.u32 s30, v12;
	v21 =	vmul.f32 v21, v3  }
0x110: {  	v33 =	vor.u32 s0, v14;
	v24 =	vmul.f32 v22, v3;
	v28 =	vld.idx.msk [tilespmem:v28+s16+$0x0], $0xffff;
	[tilespmem:s28+$0x60] =	vst v19  }
0x111: {  	v34 =	vor.u32 s22, v15;
	[tilespmem:s26+$0x30] =	vst v21;
	v21 =	vmul.f32 v30, v6;
	v22 =	vld.idx.msk [tilespmem:v18+s16+$0x0], $0xffff  }
0x112: {  	v26 =	vor.u32 s2, v14;
	[tilespmem:s26+$0xB0] =	vst v24;
	v19 =	vld.idx.msk [tilespmem:v31+s16+$0x0], $0xffff;
	v18 =	vmul.f32 v25, v5  }
0x113: {  	v24 =	vor.u32 s3, v11;
	v29 =	vmul.f32 v27, v1;
	v25 =	vld.idx.msk [tilespmem:v16+s16+$0x0], $0xffff;
	[tilespmem:s28+$0xFFFFFFE0] =	vst v21  }
0x114: {  	v27 =	vor.u32 s15, v10;
	v23 =	vld.idx.msk [tilespmem:v23+s16+$0x0], $0xffff;
	v21 =	vmul.f32 v32, v5;
	[tilespmem:s28+$0xD0] =	vst v18  }
0x115: {  	s23 =	sadd.s32 s25, s6;
	[tilespmem:s21+$0xFFFFFF10] =	vst v29;
	v29 =	vmul.f32 v17, v2;
	v18 =	vor.u32 s29, v12;
	v17 =	vld.idx.msk [tilespmem:v33+s16+$0x0], $0xffff  }
0x116: {  	s12 =	sadd.s32 $0x1, s23;
	s8 =	simm.s32 $0x13100;
	s22 =	simm.s32 $0xC;
	v16 =	vor.u32 s4, v10;
	v30 =	vmul.f32 v28, v1;
	v28 =	vor.u32 s9, v10;
	[tilespmem:s28+$0xFFFFFF50] =	vst v21;
	v21 =	vld.idx.msk [tilespmem:v34+s16+$0x0], $0xffff  }
.LBB2_5:
0x117: {  	s18 =	sshll.u32 s22, $0x7;
	p0 =	slt.u32 s22, $0xC4;
	s22 =	sadd.s32 $0x4, s22;
	[tilespmem:s26+$0xFFFFFF20] =	vst v29;
	v29 =	vor.u32 s31, v13;
	v26 =	vld.idx.msk [tilespmem:v26+s16+$0x0], $0xffff;
	v22 =	vmul.f32 v22, v7  }
0x118: {  	v20 =	vmul.f32 v20, v1;
	v31 =	vor.u32 s18, v8;
	s14 =	sadd.s32 $0x80, s18;
	s20 =	sadd.s32 $0x180, s18;
	[tilespmem:s21+$0xFFFFFF90] =	vst v30;
	v24 =	vld.idx.msk [tilespmem:v24+s16+$0x0], $0xffff;
	v30 =	vor.u32 s30, v13  }
0x119: {  	s23 =	sadd.s32 $0x100, s18;
	v25 =	vmul.f32 v25, v1;
	v32 =	vor.u32 s14, v8;
	v33 =	vor.u32 s20, v8;
	v27 =	vld.idx.msk [tilespmem:v27+s16+$0x0], $0xffff;
	[tilespmem:s28+$0x70] =	vst v22  }
0x11a: {  	v22 =	vor.u32 s23, v8;
	v34 =	vor.u32 s20, v10;
	[tilespmem:s21+$0x10] =	vst v20;
	v20 =	vmul.f32 v23, v4;
	v18 =	vld.idx.msk [tilespmem:v18+s16+$0x0], $0xffff  }
0x11b: {  	v19 =	vmul.f32 v19, v4;
	v23 =	vld.idx.msk [tilespmem:v28+s16+$0x0], $0xffff;
	[tilespmem:s21+$0x90] =	vst v25;
	v25 =	vor.u32 s2, v15;
	s2 =	smov.u32 s3;
	s3 =	smov.u32 s13;
	s13 =	smov.u32 s18  }
0x11c: {  	v28 =	vld.idx.msk [tilespmem:v16+s16+$0x0], $0xffff;
	[tilespmem:s26+$0xFFFFFFC0] =	vst v20;
	v20 =	vmul.f32 v21, v7;
	v16 =	vmov v34  }
0x11d: {  	v21 =	vld.idx.msk [tilespmem:v30+s16+$0x0], $0xffff;
	[tilespmem:s26+$0x40] =	vst v19;
	v19 =	vmul.f32 v26, v6;
	v26 =	vor.u32 s0, v15;
	s0 =	smov.u32 s29;
	s29 =	smov.u32 s4;
	s4 =	smov.u32 s20  }
0x11e: {  	v24 =	vmul.f32 v24, v3;
	v29 =	vld.idx.msk [tilespmem:v29+s16+$0x0], $0xffff;
	[tilespmem:s28+$0xFFFFFFF0] =	vst v20  }
0x11f: {  	v17 =	vmul.f32 v17, v6;
	v30 =	vor.u32 s2, v12;
	v27 =	vmul.f32 v27, v2;
	v20 =	vld.idx.msk [tilespmem:v33+s16+$0x0], $0xffff;
	[tilespmem:s28+$0xFFFFFF60] =	vst v19  }
0x120: {  	v18 =	vmul.f32 v18, v4;
	[tilespmem:s26+$0xFFFFFF30] =	vst v24;
	v19 =	vld.idx.msk [tilespmem:v25+s16+$0x0], $0xffff  }
0x121: {  	v25 =	vor.u32 s13, v9;
	v23 =	vmul.f32 v23, v2;
	v24 =	vld.idx.msk [tilespmem:v31+s16+$0x0], $0xffff;
	[tilespmem:s21+$0xFFFFFFA0] =	vst v27;
	v27 =	vor.u32 s15, v11  }
0x122: {  	v28 =	vmul.f32 v28, v2;
	v31 =	vld.idx.msk [tilespmem:v32+s16+$0x0], $0xffff;
	v32 =	vor.u32 s31, v14;
	[tilespmem:s28+$0xE0] =	vst v17  }
0x123: {  	v17 =	vor.u32 s29, v11;
	v21 =	vmul.f32 v21, v5;
	[tilespmem:s21+$0x20] =	vst v23;
	v23 =	vld.idx.msk [tilespmem:v26+s16+$0x0], $0xffff  }
0x124: {  	v26 =	vor.u32 s9, v11;
	s21 =	sadd.s32 $0x200, s21;
	v29 =	vmul.f32 v29, v5;
	[tilespmem:s8+$0xA0] =	vst v28;
	v28 =	vld.idx.msk [tilespmem:v30+s16+$0x0], $0xffff  }
0x125: {  	v30 =	vor.u32 s14, v9;
	v22 =	vld.idx.msk [tilespmem:v22+s16+$0x0], $0xffff;
	[tilespmem:s26+$0xFFFFFFD0] =	vst v21;
	v21 =	vor.u32 s0, v13  }
0x126: {  	v34 =	vor.u32 s30, v14;
	v33 =	vor.u32 s3, v10;
	v19 =	vmul.f32 v19, v7;
	v27 =	vld.idx.msk [tilespmem:v27+s16+$0x0], $0xffff;
	[tilespmem:s26+$0x50] =	vst v29  }
0x127: {  	v35 =	vor.u32 s4, v9;
	v24 =	vmul.f32 v24, v0;
	v29 =	vor.u32 s23, v9;
	v32 =	vld.idx.msk [tilespmem:v32+s16+$0x0], $0xffff;
	[tilespmem:s26+$0xC0] =	vst v18  }
0x128: {  	v18 =	vmul.f32 v31, v0;
	v17 =	vld.idx.msk [tilespmem:v17+s16+$0x0], $0xffff;
	[tilespmem:s28+$0xFFFFFF70] =	vst v19  }
0x129: {  	v19 =	vmul.f32 v20, v0;
	v20 =	vor.u32 s2, v13;
	v23 =	vmul.f32 v23, v7;
	[tilespmem:s21+$0xFFFFFF00] =	vst v24;
	v24 =	vld.idx.msk [tilespmem:v26+s16+$0x0], $0xffff  }
0x12a: {  	[tilespmem:s21+$0xFFFFFF80] =	vst v18;
	v18 =	vld.idx.msk [tilespmem:v21+s16+$0x0], $0xffff  }
0x12b: {  	v21 =	vmul.f32 v22, v0;
	v22 =	vmul.f32 v28, v4;
	v26 =	vld.idx.msk [tilespmem:v34+s16+$0x0], $0xffff;
	[tilespmem:s28+$0xF0] =	vst v23;
	s28 =	smov.u32 s26;
	s26 =	smov.u32 s8;
	s8 =	smov.u32 s21  }
0x12c: {  	v23 =	vor.u32 s31, v15;
	s31 =	smov.u32 s9;
	s9 =	smov.u32 s23;
	[tilespmem:s21+$0x80] =	vst v19;
	v28 =	vld.idx.msk [tilespmem:v33+s16+$0x0], $0xffff;
	v19 =	vmul.f32 v27, v3  }
0x12d: {  	v27 =	vor.u32 s31, v12;
	v25 =	vld.idx.msk [tilespmem:v25+s16+$0x0], $0xffff;
	[tilespmem:s28+$0xFFFFFF40] =	vst v22  }
0x12e: {  	v22 =	vmul.f32 v32, v6;
	[tilespmem:s21+$0x0] =	vst v21;
	v21 =	vld.idx.msk [tilespmem:v20+s16+$0x0], $0xffff  }
0x12f: {  	v20 =	vld.idx.msk [tilespmem:v29+s16+$0x0], $0xffff;
	[tilespmem:s26+$0xFFFFFFB0] =	vst v19;
	v29 =	vor.u32 s15, v12;
	v19 =	vmul.f32 v24, v3  }
0x130: {  	v31 =	vor.u32 s0, v14;
	v17 =	vmul.f32 v17, v3;
	v30 =	vld.idx.msk [tilespmem:v30+s16+$0x0], $0xffff;
	[tilespmem:s28+$0x60] =	vst v22  }
0x131: {  	v33 =	vor.u32 s30, v15;
	s30 =	smov.u32 s15;
	s15 =	smov.u32 s14;
	v32 =	vmul.f32 v26, v6;
	[tilespmem:s26+$0x30] =	vst v19;
	v22 =	vld.idx.msk [tilespmem:v23+s16+$0x0], $0xffff  }
.Ltmp3:
0x132: {  	v26 =	vor.u32 s2, v14;
	v19 =	vld.idx.msk [tilespmem:v27+s16+$0x0], $0xffff;
	[tilespmem:s26+$0xB0] =	vst v17;
	v17 =	vmul.f32 v18, v5;
	(pc) =	sbr.rel @p0 .LBB2_5-.Ltmp3, $4  }
0x133: {  	v24 =	vor.u32 s3, v11;
	v18 =	vmul.f32 v25, v1;
	v25 =	vld.idx.msk [tilespmem:v35+s16+$0x0], $0xffff;
	[tilespmem:s28+$0xFFFFFFE0] =	vst v32  }
0x134: {  	v27 =	vor.u32 s15, v10;
	v21 =	vmul.f32 v21, v5;
	v23 =	vld.idx.msk [tilespmem:v29+s16+$0x0], $0xffff;
	[tilespmem:s28+$0xD0] =	vst v17  }
0x135: {  	v29 =	vmul.f32 v28, v2;
	[tilespmem:s21+$0xFFFFFF10] =	vst v18;
	v18 =	vor.u32 s29, v12;
	v17 =	vld.idx.msk [tilespmem:v31+s16+$0x0], $0xffff  }
0x136: {  	v28 =	vor.u32 s9, v10;
	v30 =	vmul.f32 v30, v1;
	[tilespmem:s28+$0xFFFFFF50] =	vst v21;
	v21 =	vld.idx.msk [tilespmem:v33+s16+$0x0], $0xffff  }
0x137: {  	_ = 	snop  }
0x138: {  	v20 =	vmul.f32 v20, v1;
	v31 =	vor.u32 s13, v10;
	_ =	sdelay $0x1  }
0x139: {  	[tilespmem:s21+$0x10] =	vst v20  }
0x13a: {  	[tilespmem:s21+$0xFFFFFF90] =	vst v30;
	v62 =	vmul.f32 v25, v1;
	v63 =	vld.idx.msk [tilespmem:v28+s16+$0x0], $0xffff  }
0x13b: {  	v27 =	vld.idx.msk [tilespmem:v27+s16+$0x0], $0xffff  }
0x13c: {  	v22 =	vmul.f32 v22, v7;
	[tilespmem:s21+$0x90] =	vst v62;
	v32 =	vld.idx.msk [tilespmem:v31+s16+$0x0], $0xffff  }
0x13d: {  	[tilespmem:s26+$0xFFFFFF20] =	vst v29;
	v33 =	vor.u32 s9, v11;
	v19 =	vmul.f32 v19, v4;
	v16 =	vld.idx.msk [tilespmem:v16+s16+$0x0], $0xffff  }
0x13e: {  	v34 =	vor.u32 s15, v11;
	v23 =	vmul.f32 v23, v4;
	[tilespmem:s28+$0x70] =	vst v22  }
0x13f: {  	v36 =	vor.u32 s13, v11;
	[tilespmem:s26+$0x40] =	vst v19;
	v35 =	vmul.f32 v63, v2  }
0x140: {  	v38 =	vor.u32 s4, v11;
	v24 =	vld.idx.msk [tilespmem:v24+s16+$0x0], $0xffff;
	[tilespmem:s26+$0xFFFFFFC0] =	vst v23;
	v37 =	vmul.f32 v27, v2  }
0x141: {  	v26 =	vld.idx.msk [tilespmem:v26+s16+$0x0], $0xffff;
	[tilespmem:s21+$0x20] =	vst v35;
	v20 =	vmul.f32 v32, v2  }
0x142: {  	v40 =	vor.u32 s31, v13;
	[tilespmem:s21+$0xFFFFFFA0] =	vst v37;
	v16 =	vmul.f32 v16, v2;
	v41 =	vld.idx.msk [tilespmem:v33+s16+$0x0], $0xffff  }
0x143: {  	v42 =	vor.u32 s3, v12;
	v17 =	vmul.f32 v17, v6;
	v22 =	vld.idx.msk [tilespmem:v34+s16+$0x0], $0xffff;
	[tilespmem:s8+$0xFFFFFF20] =	vst v20  }
0x144: {  	v39 =	vor.u32 s30, v13;
	v21 =	vmul.f32 v21, v7;
	[tilespmem:s8+$0xA0] =	vst v16;
	v16 =	vld.idx.msk [tilespmem:v36+s16+$0x0], $0xffff  }
0x145: {  	v45 =	vor.u32 s9, v12;
	[tilespmem:s28+$0xE0] =	vst v17;
	v24 =	vmul.f32 v24, v3;
	v44 =	vld.idx.msk [tilespmem:v38+s16+$0x0], $0xffff  }
0x146: {  	v47 =	vor.u32 s15, v12;
	v18 =	vld.idx.msk [tilespmem:v18+s16+$0x0], $0xffff;
	v43 =	vmul.f32 v26, v6;
	[tilespmem:s28+$0xFFFFFFF0] =	vst v21  }
0x147: {  	v48 =	vor.u32 s13, v12;
	v23 =	vld.idx.msk [tilespmem:v40+s16+$0x0], $0xffff;
	[tilespmem:s26+$0xFFFFFF30] =	vst v24;
	v19 =	vmul.f32 v41, v3  }
0x148: {  	v49 =	vor.u32 s4, v12;
	[tilespmem:s28+$0xFFFFFF60] =	vst v43;
	v17 =	vld.idx.msk [tilespmem:v42+s16+$0x0], $0xffff;
	v22 =	vmul.f32 v22, v3  }
0x149: {  	v50 =	vor.u32 s2, v15;
	v46 =	vld.idx.msk [tilespmem:v39+s16+$0x0], $0xffff;
	[tilespmem:s8+$0x30] =	vst v19;
	v16 =	vmul.f32 v16, v3  }
0x14a: {  	v51 =	vor.u32 s0, v15;
	[tilespmem:s8+$0xFFFFFFB0] =	vst v22;
	v21 =	vmul.f32 v44, v3;
	v52 =	vld.idx.msk [tilespmem:v45+s16+$0x0], $0xffff  }
0x14b: {  	v54 =	vor.u32 s3, v13;
	v18 =	vmul.f32 v18, v4;
	v20 =	vld.idx.msk [tilespmem:v47+s16+$0x0], $0xffff;
	[tilespmem:s8+$0xFFFFFF30] =	vst v16  }
0x14c: {  	v55 =	vor.u32 s29, v13;
	[tilespmem:s8+$0xB0] =	vst v21;
	v16 =	vmul.f32 v23, v5;
	v56 =	vld.idx.msk [tilespmem:v48+s16+$0x0], $0xffff  }
0x14d: {  	v57 =	vor.u32 s9, v13;
	[tilespmem:s26+$0xC0] =	vst v18;
	v17 =	vmul.f32 v17, v4;
	v58 =	vld.idx.msk [tilespmem:v49+s16+$0x0], $0xffff  }
0x14e: {  	v59 =	vld.idx.msk [tilespmem:v50+s16+$0x0], $0xffff;
	v53 =	vmul.f32 v46, v5;
	[tilespmem:s26+$0x50] =	vst v16;
	v16 =	vor.u32 s15, v13  }
0x14f: {  	v60 =	vor.u32 s13, v13;
	[tilespmem:s26+$0xFFFFFF40] =	vst v17;
	v19 =	vld.idx.msk [tilespmem:v51+s16+$0x0], $0xffff;
	v17 =	vmul.f32 v52, v4  }
0x150: {  	v62 =	vor.u32 s4, v13;
	[tilespmem:s26+$0xFFFFFFD0] =	vst v53;
	v61 =	vld.idx.msk [tilespmem:v54+s16+$0x0], $0xffff;
	v20 =	vmul.f32 v20, v4  }
0x151: {  	v63 =	vor.u32 s31, v14;
	v23 =	vld.idx.msk [tilespmem:v55+s16+$0x0], $0xffff;
	[tilespmem:s8+$0x40] =	vst v17;
	v17 =	vmul.f32 v56, v4  }
0x152: {  	v30 =	vor.u32 s30, v14;
	[tilespmem:s8+$0xFFFFFFC0] =	vst v20;
	v32 =	vmul.f32 v58, v4;
	v31 =	vld.idx.msk [tilespmem:v57+s16+$0x0], $0xffff  }
0x153: {  	v34 =	vor.u32 s3, v14;
	v33 =	vmul.f32 v59, v7;
	v16 =	vld.idx.msk [tilespmem:v16+s16+$0x0], $0xffff;
	[tilespmem:s8+$0xFFFFFF40] =	vst v17  }
0x154: {  	v35 =	vor.u32 s29, v14;
	[tilespmem:s8+$0xC0] =	vst v32;
	v17 =	vmul.f32 v19, v7;
	v22 =	vld.idx.msk [tilespmem:v60+s16+$0x0], $0xffff  }
0x155: {  	v36 =	vor.u32 s9, v14;
	[tilespmem:s28+$0xFFFFFF70] =	vst v33;
	v18 =	vmul.f32 v61, v5;
	v37 =	vld.idx.msk [tilespmem:v62+s16+$0x0], $0xffff  }
0x156: {  	v39 =	vor.u32 s15, v14;
	v38 =	vld.idx.msk [tilespmem:v63+s16+$0x0], $0xffff;
	[tilespmem:s28+$0xF0] =	vst v17;
	v17 =	vmul.f32 v23, v5  }
0x157: {  	v41 =	vor.u32 s13, v14;
	v21 =	vld.idx.msk [tilespmem:v30+s16+$0x0], $0xffff;
	[tilespmem:s26+$0xFFFFFF50] =	vst v18;
	v40 =	vmul.f32 v31, v5  }
0x158: {  	v42 =	vor.u32 s4, v14;
	[tilespmem:s26+$0xD0] =	vst v17;
	v17 =	vld.idx.msk [tilespmem:v34+s16+$0x0], $0xffff;
	v16 =	vmul.f32 v16, v5  }
0x159: {  	v43 =	vor.u32 s31, v15;
	v19 =	vld.idx.msk [tilespmem:v35+s16+$0x0], $0xffff;
	[tilespmem:s8+$0x50] =	vst v40;
	v44 =	vmul.f32 v22, v5  }
0x15a: {  	v45 =	vor.u32 s30, v15;
	v46 =	vmul.f32 v37, v5;
	[tilespmem:s8+$0xFFFFFFD0] =	vst v16;
	v16 =	vld.idx.msk [tilespmem:v36+s16+$0x0], $0xffff  }
0x15b: {  	v48 =	vor.u32 s3, v15;
	v47 =	vmul.f32 v38, v6;
	v23 =	vld.idx.msk [tilespmem:v39+s16+$0x0], $0xffff;
	[tilespmem:s8+$0xFFFFFF50] =	vst v44  }
0x15c: {  	v50 =	vor.u32 s29, v15;
	v49 =	vmul.f32 v21, v6;
	[tilespmem:s8+$0xD0] =	vst v46;
	v20 =	vld.idx.msk [tilespmem:v41+s16+$0x0], $0xffff  }
0x15d: {  	v51 =	vor.u32 s9, v15;
	[tilespmem:s26+$0x60] =	vst v47;
	v52 =	vld.idx.msk [tilespmem:v42+s16+$0x0], $0xffff;
	v17 =	vmul.f32 v17, v6  }
0x15e: {  	v55 =	vor.u32 s15, v15;
	[tilespmem:s26+$0xFFFFFFE0] =	vst v49;
	v53 =	vld.idx.msk [tilespmem:v43+s16+$0x0], $0xffff;
	v54 =	vmul.f32 v19, v6  }
0x15f: {  	v22 =	vld.idx.msk [tilespmem:v45+s16+$0x0], $0xffff;
	[tilespmem:s26+$0xFFFFFF60] =	vst v17;
	v17 =	vor.u32 s13, v15;
	v16 =	vmul.f32 v16, v6  }
0x160: {  	v57 =	vor.u32 s4, v15;
	v26 =	vld.idx.msk [tilespmem:v48+s16+$0x0], $0xffff;
	[tilespmem:s26+$0xE0] =	vst v54;
	v56 =	vmul.f32 v23, v6  }
0x161: {  	v21 =	vld.idx.msk [tilespmem:v50+s16+$0x0], $0xffff;
	[tilespmem:s8+$0x60] =	vst v16;
	v16 =	vmul.f32 v20, v6  }
0x162: {  	v59 =	vmul.f32 v52, v6;
	[tilespmem:s8+$0xFFFFFFE0] =	vst v56;
	v58 =	vld.idx.msk [tilespmem:v51+s16+$0x0], $0xffff  }
0x163: {  	v60 =	vmul.f32 v53, v7;
	v19 =	vld.idx.msk [tilespmem:v55+s16+$0x0], $0xffff;
	[tilespmem:s8+$0xFFFFFF60] =	vst v16  }
0x164: {  	[tilespmem:s8+$0xE0] =	vst v59;
	v16 =	vmul.f32 v22, v7;
	v17 =	vld.idx.msk [tilespmem:v17+s16+$0x0], $0xffff  }
0x165: {  	[tilespmem:s26+$0x70] =	vst v60;
	v62 =	vld.idx.msk [tilespmem:v57+s16+$0x0], $0xffff;
	v61 =	vmul.f32 v26, v7  }
0x166: {  	[tilespmem:s26+$0xFFFFFFF0] =	vst v16;
	v16 =	vmul.f32 v21, v7  }
0x167: {  	[tilespmem:s26+$0xFFFFFF70] =	vst v61;
	v63 =	vmul.f32 v58, v7  }
0x168: {  	[tilespmem:s26+$0xF0] =	vst v16;
	v16 =	vmul.f32 v19, v7  }
.Ltmp4:
0x169: {  	[tilespmem:s8+$0x70] =	vst v63;
	v17 =	vmul.f32 v17, v7;
	(pc) =	sbr.rel @p1 .LBB2_8-.Ltmp4, $4  }
0x16a: {  	s30 =	smul.u32 $0xC80, s12;
	[tilespmem:s8+$0xFFFFFFF0] =	vst v16;
	v16 =	vmul.f32 v62, v7  }
0x16b: {  	[tilespmem:s8+$0xFFFFFF70] =	vst v17  }
0x16c: {  	s31 =	simm.s32 $0x12C00;
	s0 =	sadd.s32 s7, s30;
	[tilespmem:s8+$0xF0] =	vst v16  }
0x16d: {  	[hbm4b:s0+s5] =	stream.linear.scatter [tilespmem:s31], [sflag:$0x4], $0x6400, $0x38;
	[tilespmem:$0x19400] =	vst v63  }
.Ltmp5:
0x16e: {  	s0 =	sadd.s32 s25, s11;
	(pc) =	sbr.rel .LBB2_2-.Ltmp5, $3  }
0x16f: {  	s0 =	smul.u32 $0xC80, s0;
	_ =	sdelay $0x1  }
0x170: {  	s24 =	sadd.s32 $0x1, s24;
	s0 =	sadd.s32 s1, s0  }
0x171: {  	[tilespmem:s16], [sflag:$0x2] =	stream.linear.gather [hbm4b:s0+s5], $0x6400, $0x38;
	[tilespmem:$0x19400] =	vst v63  }
.LBB2_9:
0x172: {  	_ =	sfence.sel $0x180000  }
0x173: {  	[bflag:$0x0] =	sbarrier.arrive $0xFFFF  }
0x174: {  	_ =	strace $0x90000047  }
0x175: {  	s0 =	stileid.u32;
	[bflag:$0x2] =	sbarrier.arrive $0xFFFF  }
0x176: {  	p0 =	sne.s32 s0, $0x0;
	s0 =	rddreg [dreg:$0x4]  }
0x177: {  	s0 =	sadd.s32 @!p0 $0x100000, s0  }
0x178: {  	[sflag:s0] =	ssyncadd.tile.s32 @!p0 $0x1;
	_ =	shalt  }
.Lfunc_end2:
_tile_overlayer_lowered:
.L_overlay_start_2:
0x179: {  	(tag) =	ssettag $0x2  }
0x17a: {  	s0 =	rddreg [dreg:$0x0];
	s2 =	stileid.u32  }
0x17b: {  	s1 =	rddreg [dreg:$0x1];
	p0 =	sne.s32 s2, $0x0  }
0x17c: {  	s3 =	rddreg [dreg:$0x2];
	[bflag:$0x3] =	sbarrier.arrive $0xFFFF;
	s2 =	simm.s32 @!p0 $0x1C05  }
0x17d: {  	[timem:s3], [sflag:s2] =	dma.local @!p0 [hbm:s0], s1  }
0x17e: {  	s0 =	simm.s32 @!p0 $0x5  }
0x17f: {  	_ =	swait.ge @!p0 [sflag:s0], s1  }
0x180: {  	s1 =	ssub.s32 @!p0 $0x0, s1;
	[sflag:s0] =	ssyncset.done @!p0 $0x0  }
0x181: {  	[sflag:s0] =	ssyncadd.s32 @!p0 s1  }
0x182: {  	[bflag:$0x3] =	sbarrier.arrive $0xFFFF  }
0x183: {  	_ =	shalt  }

</sc_bundles>
